<compile_context>
chip_gen: v7x
topology: tpu7x:2x2x1
jax: 0.10.2.dev20260603
libtpu: 0.0.44.dev20260713+nightly
codegen_flags: <defaults>
</compile_context>

<pallas_src>
import jax
import jax.numpy as jnp
from jax.experimental import pallas as pl
from jax.experimental.pallas import tpu as pltpu

_INTERPRET = False


def _gat_layer_fm(xT, ea_l, mask, WpT, wsp, wdp, bp, heads, chp):
    hT = jnp.dot(WpT, xT, preferred_element_type=jnp.float32)
    s = jax.lax.dot_general(xT, wsp, (((0,), (0,)), ((), ())),
                            preferred_element_type=jnp.float32)
    dT = jax.lax.dot_general(wdp, xT, (((0,), (0,)), ((), ())),
                             preferred_element_type=jnp.float32)
    outs = []
    for h in range(heads):
        logit = s[:, h][:, None] + dT[h][None, :] + ea_l[h]
        logit = jnp.maximum(logit, 0.2 * logit)
        logit = jnp.where(mask, logit, jnp.float32(-1e9))
        m = jnp.max(logit, axis=0, keepdims=True)
        e = jnp.where(mask, jnp.exp(logit - m), 0.0)
        denom = jnp.maximum(jnp.sum(e, axis=0, keepdims=True),
                            jnp.float32(1e-30))
        oh = jnp.dot(hT[h * chp:(h + 1) * chp], e,
                     preferred_element_type=jnp.float32)
        outs.append(oh / denom)
    return jnp.concatenate(outs, axis=0) + bp


def _body(atomsT_ref, adjs_ref, et_ref,
          W1_ref, ws1_ref, wd1_ref, b1_ref,
          W2_ref, ws2_ref, wd2_ref, b2_ref,
          W3_ref, ws3_ref, wd3_ref, b3_ref,
          M_ref, out_ref, *, heads, chp, out_dim):
    xT = atomsT_ref[0]
    n = xT.shape[1]
    mask = adjs_ref[0] > 0.5
    ea_all = jax.lax.dot_general(M_ref[...], et_ref[...],
                                 (((1,), (0,)), ((), ())),
                                 preferred_element_type=jnp.float32)
    ea_all = ea_all.reshape(ea_all.shape[0], n, n)
    xT = _gat_layer_fm(xT, ea_all[0:heads], mask, W1_ref[...],
                       ws1_ref[...], wd1_ref[...], b1_ref[...], heads, chp)
    xT = _gat_layer_fm(xT, ea_all[heads:2 * heads], mask, W2_ref[...],
                       ws2_ref[...], wd2_ref[...], b2_ref[...], heads, chp)
    xT = _gat_layer_fm(xT, ea_all[2 * heads:2 * heads + 1], mask, W3_ref[...],
                       ws3_ref[...], wd3_ref[...], b3_ref[...], 1, chp)
    out_ref[0] = xT[:out_dim].T


def _fold(W, a):
    heads, ch = a.shape
    return jnp.einsum('dhc,hc->dh', W.reshape(W.shape[0], heads, ch), a)


def kernel(atoms, adjs, edges, W1, We1, as1, ad1, ae1, b1,
           W2, We2, as2, ad2, ae2, b2, W3, We3, as3, ad3, ae3, b3):
    Bb, n, dim = atoms.shape
    E = edges.shape[-1]
    heads, ch = as1.shape
    out_dim = W3.shape[1]
    chp = ((ch + 7) // 8) * 8
    outp = ((out_dim + 7) // 8) * 8
    pad_c = chp - ch

    W1pT = jnp.pad(W1.reshape(dim, heads, ch),
                   ((0, 0), (0, 0), (0, pad_c))).reshape(dim, heads * chp).T
    ws1p, wd1p = _fold(W1, as1), _fold(W1, ad1)
    b1p = jnp.pad(b1.reshape(heads, ch),
                  ((0, 0), (0, pad_c))).reshape(heads * chp)[:, None]
    W2p = jnp.pad(W2.reshape(heads, ch, heads, ch),
                  ((0, 0), (0, pad_c), (0, 0), (0, pad_c)))
    W2pT = W2p.reshape(heads * chp, heads * chp).T
    ws2p = jnp.pad(_fold(W2, as2).reshape(heads, ch, heads),
                   ((0, 0), (0, pad_c), (0, 0))).reshape(heads * chp, heads)
    wd2p = jnp.pad(_fold(W2, ad2).reshape(heads, ch, heads),
                   ((0, 0), (0, pad_c), (0, 0))).reshape(heads * chp, heads)
    b2p = jnp.pad(b2.reshape(heads, ch),
                  ((0, 0), (0, pad_c))).reshape(heads * chp)[:, None]
    W3p = jnp.pad(W3.reshape(heads, ch, out_dim),
                  ((0, 0), (0, pad_c), (0, 0))).reshape(heads * chp, out_dim)
    W3pT = jnp.pad(W3p, ((0, 0), (0, outp - out_dim))).T
    ws3p = jnp.pad(_fold(W3, as3).reshape(heads, ch, 1),
                   ((0, 0), (0, pad_c), (0, 0))).reshape(heads * chp, 1)
    wd3p = jnp.pad(_fold(W3, ad3).reshape(heads, ch, 1),
                   ((0, 0), (0, pad_c), (0, 0))).reshape(heads * chp, 1)
    b3p = jnp.pad(b3, (0, outp - out_dim))[:, None]
    V = jnp.concatenate([_fold(We1, ae1), _fold(We2, ae2), _fold(We3, ae3)],
                        axis=1)
    M = V.T.astype(jnp.bfloat16)

    atomsT = jnp.swapaxes(atoms, 1, 2)

    def full(x):
        return pl.BlockSpec(x.shape, lambda b: (0,) * x.ndim)

    weights = (W1pT, ws1p, wd1p, b1p, W2pT, ws2p, wd2p, b2p,
               W3pT, ws3p, wd3p, b3p, M)
    import functools
    body = functools.partial(_body, heads=heads, chp=chp, out_dim=out_dim)

    et = jnp.transpose(edges.astype(jnp.bfloat16).reshape(Bb * n * n, E),
                       (1, 0))
    out = pl.pallas_call(
        body,
        grid=(Bb,),
        in_specs=[
            pl.BlockSpec((1, dim, n), lambda b: (b, 0, 0)),
            pl.BlockSpec((1, n, n), lambda b: (b, 0, 0)),
            pl.BlockSpec((E, n * n), lambda b: (0, b)),
        ] + [full(w) for w in weights],
        out_specs=pl.BlockSpec((1, n, out_dim), lambda b: (b, 0, 0)),
        out_shape=jax.ShapeDtypeStruct((Bb, n, out_dim), jnp.float32),
        compiler_params=pltpu.CompilerParams(
            dimension_semantics=("parallel",)),
        interpret=_INTERPRET,
    )(atomsT, adjs, et, *weights)
    return out

# --- scband reference (transcript-rebuilt; emitter-appended) ---
"""Pipeline reference for scband-molecular-gat1-103079215298 (READ-ONLY COPY).

The authoritative reference and input builder live on the scoring server;
editing this copy changes nothing except your own understanding.
"""

import jax, jax.numpy as jnp
import numpy as np

B, N = 64, 128
ATOM_DIM, EDGE_DIM = 128, 16
HID, HEADS, OUT = 75, 8, 75


def _glorot(k, shape):
    return jax.random.normal(k, shape, dtype=jnp.float32) * (1.0 / np.sqrt(shape[0]))


def setup_inputs(seed: int = 0):
    key = jax.random.key(seed)
    ks = jax.random.split(key, 32)
    inp = {}
    inp['atoms'] = jax.random.normal(ks[0], (B, N, ATOM_DIM), dtype=jnp.float32)
    inp['adjs'] = jax.random.uniform(ks[1], (B, N, N), dtype=jnp.float32)
    inp['edges'] = jax.random.normal(ks[2], (B, N, N, EDGE_DIM), dtype=jnp.float32)
    inp['W1'] = _glorot(ks[3], (ATOM_DIM, HEADS * HID))
    inp['We1'] = _glorot(ks[4], (EDGE_DIM, HEADS * HID))
    inp['as1'] = jax.random.normal(ks[5], (HEADS, HID), dtype=jnp.float32) * 0.1
    inp['ad1'] = jax.random.normal(ks[6], (HEADS, HID), dtype=jnp.float32) * 0.1
    inp['ae1'] = jax.random.normal(ks[7], (HEADS, HID), dtype=jnp.float32) * 0.1
    inp['b1'] = jnp.zeros((HEADS * HID,), dtype=jnp.float32)
    inp['W2'] = _glorot(ks[8], (HEADS * HID, HEADS * HID))
    inp['We2'] = _glorot(ks[9], (EDGE_DIM, HEADS * HID))
    inp['as2'] = jax.random.normal(ks[10], (HEADS, HID), dtype=jnp.float32) * 0.1
    inp['ad2'] = jax.random.normal(ks[11], (HEADS, HID), dtype=jnp.float32) * 0.1
    inp['ae2'] = jax.random.normal(ks[12], (HEADS, HID), dtype=jnp.float32) * 0.1
    inp['b2'] = jnp.zeros((HEADS * HID,), dtype=jnp.float32)
    inp['W3'] = _glorot(ks[13], (HEADS * HID, OUT))
    inp['We3'] = _glorot(ks[14], (EDGE_DIM, OUT))
    inp['as3'] = jax.random.normal(ks[15], (1, OUT), dtype=jnp.float32) * 0.1
    inp['ad3'] = jax.random.normal(ks[16], (1, OUT), dtype=jnp.float32) * 0.1
    inp['ae3'] = jax.random.normal(ks[17], (1, OUT), dtype=jnp.float32) * 0.1
    inp['b3'] = jnp.zeros((OUT,), dtype=jnp.float32)
    return inp


def _gat(x, mask, edge, W, We, a_s, a_d, a_e, b, heads, ch, concat):
    Bb, Nn = x.shape[0], x.shape[1]
    h = (x @ W).reshape(Bb, Nn, heads, ch)
    s = jnp.einsum('bnhc,hc->bnh', h, a_s)
    d = jnp.einsum('bnhc,hc->bnh', h, a_d)
    # edge_attr only contributes to attention logits in GATConv; fold We into a_e
    v = jnp.einsum('dhc,hc->dh', We.reshape(-1, heads, ch), a_e)
    ea = jnp.einsum('bijd,dh->bijh', edge, v)
    # logit[b,i,j,h]: edge from source i to target j (adj[i,j] > 0.5 nonzero convention)
    logit = s[:, :, None, :] + d[:, None, :, :] + ea
    logit = jax.nn.leaky_relu(logit, 0.2)
    logit = jnp.where(mask[..., None], logit, jnp.float32(-1e9))
    alpha = jax.nn.softmax(logit, axis=1)
    alpha = jnp.where(mask[..., None], alpha, 0.0)
    out = jnp.einsum('bijh,bihc->bjhc', alpha, h)
    if concat:
        out = out.reshape(Bb, Nn, heads * ch)
    else:
        out = out.mean(axis=2)
    return out + b


def reference(atoms, adjs, edges, W1, We1, as1, ad1, ae1, b1, W2, We2, as2, ad2, ae2, b2, W3, We3, as3, ad3, ae3, b3):
    mask = adjs > 0.5
    x = _gat(atoms, mask, edges, W1, We1, as1, ad1, ae1, b1, HEADS, HID, True)
    x = _gat(x, mask, edges, W2, We2, as2, ad2, ae2, b2, HEADS, HID, True)
    x = _gat(x, mask, edges, W3, We3, as3, ad3, ae3, b3, 1, OUT, False)
    return x

if __name__ == "__main__":
    import jax
    _d = setup_inputs()
    print(jax.jit(kernel)(*tuple(_d.values())))

</pallas_src>

<mosaic_0001>
module attributes {stable_mosaic.version = 14 : i64} {
  func.func @_body(%arg0: i32, %arg1: memref<1x128x128xf32, #tpu.memory_space<vmem>>, %arg2: memref<1x128x128xf32, #tpu.memory_space<vmem>>, %arg3: memref<16x16384xbf16, #tpu.memory_space<vmem>>, %arg4: memref<640x128xf32, #tpu.memory_space<vmem>>, %arg5: memref<128x8xf32, #tpu.memory_space<vmem>>, %arg6: memref<128x8xf32, #tpu.memory_space<vmem>>, %arg7: memref<640x1xf32, #tpu.memory_space<vmem>>, %arg8: memref<640x640xf32, #tpu.memory_space<vmem>>, %arg9: memref<640x8xf32, #tpu.memory_space<vmem>>, %arg10: memref<640x8xf32, #tpu.memory_space<vmem>>, %arg11: memref<640x1xf32, #tpu.memory_space<vmem>>, %arg12: memref<80x640xf32, #tpu.memory_space<vmem>>, %arg13: memref<640x1xf32, #tpu.memory_space<vmem>>, %arg14: memref<640x1xf32, #tpu.memory_space<vmem>>, %arg15: memref<80x1xf32, #tpu.memory_space<vmem>>, %arg16: memref<17x16xbf16, #tpu.memory_space<vmem>>, %arg17: memref<1x128x75xf32, #tpu.memory_space<vmem>>) attributes {dimension_semantics = [#tpu.dimension_semantics<parallel>], iteration_bounds = array<i64: 64>, scalar_prefetch = 0 : i64, scratch_operands = 0 : i64, tpu.core_type = #tpu.core_type<tc>, window_params = [{transform_indices = @transform_0, window_bounds = array<i64: 1, 128, 128>}, {transform_indices = @transform_1, window_bounds = array<i64: 1, 128, 128>}, {transform_indices = @transform_2, window_bounds = array<i64: 16, 16384>}, {pipeline_mode = #tpu.pipeline_mode<synchronous>, transform_indices = @transform_3, window_bounds = array<i64: 640, 128>}, {pipeline_mode = #tpu.pipeline_mode<synchronous>, transform_indices = @transform_4, window_bounds = array<i64: 128, 8>}, {pipeline_mode = #tpu.pipeline_mode<synchronous>, transform_indices = @transform_5, window_bounds = array<i64: 128, 8>}, {pipeline_mode = #tpu.pipeline_mode<synchronous>, transform_indices = @transform_6, window_bounds = array<i64: 640, 1>}, {pipeline_mode = #tpu.pipeline_mode<synchronous>, transform_indices = @transform_7, window_bounds = array<i64: 640, 640>}, {pipeline_mode = #tpu.pipeline_mode<synchronous>, transform_indices = @transform_8, window_bounds = array<i64: 640, 8>}, {pipeline_mode = #tpu.pipeline_mode<synchronous>, transform_indices = @transform_9, window_bounds = array<i64: 640, 8>}, {pipeline_mode = #tpu.pipeline_mode<synchronous>, transform_indices = @transform_10, window_bounds = array<i64: 640, 1>}, {pipeline_mode = #tpu.pipeline_mode<synchronous>, transform_indices = @transform_11, window_bounds = array<i64: 80, 640>}, {pipeline_mode = #tpu.pipeline_mode<synchronous>, transform_indices = @transform_12, window_bounds = array<i64: 640, 1>}, {pipeline_mode = #tpu.pipeline_mode<synchronous>, transform_indices = @transform_13, window_bounds = array<i64: 640, 1>}, {pipeline_mode = #tpu.pipeline_mode<synchronous>, transform_indices = @transform_14, window_bounds = array<i64: 80, 1>}, {pipeline_mode = #tpu.pipeline_mode<synchronous>, transform_indices = @transform_15, window_bounds = array<i64: 17, 16>}, {transform_indices = @transform_16, window_bounds = array<i64: 1, 128, 75>}]} {
    %get3A = arith.constant 0 : index
    %get3A_0 = arith.constant 0 : index
    %get3A_1 = arith.constant 0 : index
    %get3A_2 = vector.load %arg1[%get3A, %get3A_0, %get3A_1] : memref<1x128x128xf32, #tpu.memory_space<vmem>>, vector<1x128x128xf32>
    %get3A_3 = vector.shape_cast %get3A_2 : vector<1x128x128xf32> to vector<128x128xf32>
    %get3A_4 = arith.constant 0 : index
    %get3A_5 = arith.constant 0 : index
    %get3A_6 = arith.constant 0 : index
    %get3A_7 = vector.load %arg2[%get3A_4, %get3A_5, %get3A_6] : memref<1x128x128xf32, #tpu.memory_space<vmem>>, vector<1x128x128xf32>
    %get3A_8 = vector.shape_cast %get3A_7 : vector<1x128x128xf32> to vector<128x128xf32>
    %gt3A = arith.constant 5.000000e-01 : f32
    %gt3A_9 = vector.broadcast %gt3A : f32 to vector<128x128xf32>
    %gt3A_10 = arith.cmpf ogt, %get3A_8, %gt3A_9 : vector<128x128xf32>
    %get3A_11 = arith.constant 0 : index
    %get3A_12 = arith.constant 0 : index
    %get3A_13 = vector.load %arg16[%get3A_11, %get3A_12] : memref<17x16xbf16, #tpu.memory_space<vmem>>, vector<17x16xbf16>
    %get3A_14 = arith.constant 0 : index
    %get3A_15 = arith.constant 0 : index
    %get3A_16 = vector.load %arg3[%get3A_14, %get3A_15] : memref<16x16384xbf16, #tpu.memory_space<vmem>>, vector<16x16384xbf16>
    %dot_general3A = arith.constant dense<0.000000e+00> : vector<17x16384xf32>
    %dot_general3A_17 = tpu.matmul %get3A_13, %get3A_16, %dot_general3A {dimension_numbers = #tpu.dot_dimension_numbers<[1], [0], [0], [1], [0, 0, 1, 1], [], []>, transpose_lhs_hint = false} : vector<17x16xbf16>, vector<16x16384xbf16>, vector<17x16384xf32> -> vector<17x16384xf32>
    %reshape3A = vector.shape_cast %dot_general3A_17 : vector<17x16384xf32> to vector<17x128x128xf32>
    %slice3A = vector.extract_strided_slice %reshape3A {offsets = [0, 0, 0], sizes = [8, 128, 128], strides = [1, 1, 1]} : vector<17x128x128xf32> to vector<8x128x128xf32>
    %get3A_18 = arith.constant 0 : index
    %get3A_19 = arith.constant 0 : index
    %get3A_20 = vector.load %arg4[%get3A_18, %get3A_19] : memref<640x128xf32, #tpu.memory_space<vmem>>, vector<640x128xf32>
    %get3A_21 = arith.constant 0 : index
    %get3A_22 = arith.constant 0 : index
    %get3A_23 = vector.load %arg5[%get3A_21, %get3A_22] : memref<128x8xf32, #tpu.memory_space<vmem>>, vector<128x8xf32>
    %get3A_24 = arith.constant 0 : index
    %get3A_25 = arith.constant 0 : index
    %get3A_26 = vector.load %arg6[%get3A_24, %get3A_25] : memref<128x8xf32, #tpu.memory_space<vmem>>, vector<128x8xf32>
    %get3A_27 = arith.constant 0 : index
    %get3A_28 = arith.constant 0 : index
    %get3A_29 = vector.load %arg7[%get3A_27, %get3A_28] : memref<640x1xf32, #tpu.memory_space<vmem>>, vector<640x1xf32>
    %dot_general3A_30 = arith.constant dense<0.000000e+00> : vector<640x128xf32>
    %dot_general3A_31 = tpu.matmul %get3A_20, %get3A_3, %dot_general3A_30 {dimension_numbers = #tpu.dot_dimension_numbers<[1], [0], [0], [1], [0, 0, 1, 1], [], []>, transpose_lhs_hint = false} : vector<640x128xf32>, vector<128x128xf32>, vector<640x128xf32> -> vector<640x128xf32>
    %dot_general3A_32 = arith.constant dense<0.000000e+00> : vector<128x8xf32>
    %dot_general3A_33 = tpu.matmul %get3A_3, %get3A_23, %dot_general3A_32 {dimension_numbers = #tpu.dot_dimension_numbers<[0], [0], [1], [1], [0, 1, 1, 1], [], []>, transpose_lhs_hint = false} : vector<128x128xf32>, vector<128x8xf32>, vector<128x8xf32> -> vector<128x8xf32>
    %dot_general3A_34 = arith.constant dense<0.000000e+00> : vector<8x128xf32>
    %dot_general3A_35 = tpu.matmul %get3A_26, %get3A_3, %dot_general3A_34 {dimension_numbers = #tpu.dot_dimension_numbers<[0], [0], [1], [1], [0, 1, 1, 1], [], []>, transpose_lhs_hint = false} : vector<128x8xf32>, vector<128x128xf32>, vector<8x128xf32> -> vector<8x128xf32>
    %slice3A_36 = vector.extract_strided_slice %dot_general3A_33 {offsets = [0, 0], sizes = [128, 1], strides = [1, 1]} : vector<128x8xf32> to vector<128x1xf32>
    %squeeze3A = vector.shape_cast %slice3A_36 : vector<128x1xf32> to vector<128xf32>
    %broadcast_in_dim3A = vector.shape_cast %squeeze3A : vector<128xf32> to vector<128x1xf32>
    %slice3A_37 = vector.extract_strided_slice %dot_general3A_35 {offsets = [0, 0], sizes = [1, 128], strides = [1, 1]} : vector<8x128xf32> to vector<1x128xf32>
    %squeeze3A_38 = vector.shape_cast %slice3A_37 : vector<1x128xf32> to vector<128xf32>
    %broadcast_in_dim3A_39 = vector.shape_cast %squeeze3A_38 : vector<128xf32> to vector<1x128xf32>
    %add3A = vector.broadcast %broadcast_in_dim3A : vector<128x1xf32> to vector<128x128xf32>
    %add3A_40 = vector.broadcast %broadcast_in_dim3A_39 : vector<1x128xf32> to vector<128x128xf32>
    %add3A_41 = arith.addf %add3A, %add3A_40 : vector<128x128xf32>
    %slice3A_42 = vector.extract_strided_slice %slice3A {offsets = [0, 0, 0], sizes = [1, 128, 128], strides = [1, 1, 1]} : vector<8x128x128xf32> to vector<1x128x128xf32>
    %squeeze3A_43 = vector.shape_cast %slice3A_42 : vector<1x128x128xf32> to vector<128x128xf32>
    %add3A_44 = arith.addf %add3A_41, %squeeze3A_43 : vector<128x128xf32>
    %mul3A = arith.constant 2.000000e-01 : f32
    %mul3A_45 = vector.broadcast %mul3A : f32 to vector<128x128xf32>
    %mul3A_46 = arith.mulf %mul3A_45, %add3A_44 : vector<128x128xf32>
    %max3A = arith.maximumf %add3A_44, %mul3A_46 : vector<128x128xf32>
    %jit3A = arith.constant -1.000000e+09 : f32
    %broadcast_in_dim3A_47 = vector.broadcast %jit3A : f32 to vector<128x128xf32>
    %select_n3A = arith.select %gt3A_10, %max3A, %broadcast_in_dim3A_47 : vector<128x128xi1>, vector<128x128xf32>
    %reduce_max3A = arith.constant dense<0xFF800000> : vector<128xf32>
    %reduce_max3A_48 = vector.multi_reduction <maximumf>, %select_n3A, %reduce_max3A [0] : vector<128x128xf32> to vector<128xf32>
    %broadcast_in_dim3A_49 = vector.shape_cast %reduce_max3A_48 : vector<128xf32> to vector<1x128xf32>
    %sub3A = vector.broadcast %broadcast_in_dim3A_49 : vector<1x128xf32> to vector<128x128xf32>
    %sub3A_50 = arith.subf %select_n3A, %sub3A : vector<128x128xf32>
    %exp3A = math.exp %sub3A_50 : vector<128x128xf32>
    %jit3A_51 = arith.constant 0.000000e+00 : f32
    %broadcast_in_dim3A_52 = vector.broadcast %jit3A_51 : f32 to vector<128x128xf32>
    %select_n3A_53 = arith.select %gt3A_10, %exp3A, %broadcast_in_dim3A_52 : vector<128x128xi1>, vector<128x128xf32>
    %reduce_sum3A = arith.constant dense<0.000000e+00> : vector<128xf32>
    %reduce_sum3A_54 = vector.multi_reduction <add>, %select_n3A_53, %reduce_sum3A [0] : vector<128x128xf32> to vector<128xf32>
    %broadcast_in_dim3A_55 = vector.shape_cast %reduce_sum3A_54 : vector<128xf32> to vector<1x128xf32>
    %max3A_56 = arith.constant 1.000000e-30 : f32
    %max3A_57 = vector.broadcast %max3A_56 : f32 to vector<1x128xf32>
    %max3A_58 = arith.maximumf %broadcast_in_dim3A_55, %max3A_57 : vector<1x128xf32>
    %slice3A_59 = vector.extract_strided_slice %dot_general3A_31 {offsets = [0, 0], sizes = [80, 128], strides = [1, 1]} : vector<640x128xf32> to vector<80x128xf32>
    %dot_general3A_60 = arith.constant dense<0.000000e+00> : vector<80x128xf32>
    %dot_general3A_61 = tpu.matmul %slice3A_59, %select_n3A_53, %dot_general3A_60 {dimension_numbers = #tpu.dot_dimension_numbers<[1], [0], [0], [1], [0, 0, 1, 1], [], []>, transpose_lhs_hint = false} : vector<80x128xf32>, vector<128x128xf32>, vector<80x128xf32> -> vector<80x128xf32>
    %div3A = vector.broadcast %max3A_58 : vector<1x128xf32> to vector<80x128xf32>
    %div3A_62 = arith.divf %dot_general3A_61, %div3A : vector<80x128xf32>
    %slice3A_63 = vector.extract_strided_slice %dot_general3A_33 {offsets = [0, 1], sizes = [128, 1], strides = [1, 1]} : vector<128x8xf32> to vector<128x1xf32>
    %squeeze3A_64 = vector.shape_cast %slice3A_63 : vector<128x1xf32> to vector<128xf32>
    %broadcast_in_dim3A_65 = vector.shape_cast %squeeze3A_64 : vector<128xf32> to vector<128x1xf32>
    %slice3A_66 = vector.extract_strided_slice %dot_general3A_35 {offsets = [1, 0], sizes = [1, 128], strides = [1, 1]} : vector<8x128xf32> to vector<1x128xf32>
    %squeeze3A_67 = vector.shape_cast %slice3A_66 : vector<1x128xf32> to vector<128xf32>
    %broadcast_in_dim3A_68 = vector.shape_cast %squeeze3A_67 : vector<128xf32> to vector<1x128xf32>
    %add3A_69 = vector.broadcast %broadcast_in_dim3A_65 : vector<128x1xf32> to vector<128x128xf32>
    %add3A_70 = vector.broadcast %broadcast_in_dim3A_68 : vector<1x128xf32> to vector<128x128xf32>
    %add3A_71 = arith.addf %add3A_69, %add3A_70 : vector<128x128xf32>
    %slice3A_72 = vector.extract_strided_slice %slice3A {offsets = [1, 0, 0], sizes = [1, 128, 128], strides = [1, 1, 1]} : vector<8x128x128xf32> to vector<1x128x128xf32>
    %squeeze3A_73 = vector.shape_cast %slice3A_72 : vector<1x128x128xf32> to vector<128x128xf32>
    %add3A_74 = arith.addf %add3A_71, %squeeze3A_73 : vector<128x128xf32>
    %mul3A_75 = arith.constant 2.000000e-01 : f32
    %mul3A_76 = vector.broadcast %mul3A_75 : f32 to vector<128x128xf32>
    %mul3A_77 = arith.mulf %mul3A_76, %add3A_74 : vector<128x128xf32>
    %max3A_78 = arith.maximumf %add3A_74, %mul3A_77 : vector<128x128xf32>
    %jit3A_79 = arith.constant -1.000000e+09 : f32
    %broadcast_in_dim3A_80 = vector.broadcast %jit3A_79 : f32 to vector<128x128xf32>
    %select_n3A_81 = arith.select %gt3A_10, %max3A_78, %broadcast_in_dim3A_80 : vector<128x128xi1>, vector<128x128xf32>
    %reduce_max3A_82 = arith.constant dense<0xFF800000> : vector<128xf32>
    %reduce_max3A_83 = vector.multi_reduction <maximumf>, %select_n3A_81, %reduce_max3A_82 [0] : vector<128x128xf32> to vector<128xf32>
    %broadcast_in_dim3A_84 = vector.shape_cast %reduce_max3A_83 : vector<128xf32> to vector<1x128xf32>
    %sub3A_85 = vector.broadcast %broadcast_in_dim3A_84 : vector<1x128xf32> to vector<128x128xf32>
    %sub3A_86 = arith.subf %select_n3A_81, %sub3A_85 : vector<128x128xf32>
    %exp3A_87 = math.exp %sub3A_86 : vector<128x128xf32>
    %jit3A_88 = arith.constant 0.000000e+00 : f32
    %broadcast_in_dim3A_89 = vector.broadcast %jit3A_88 : f32 to vector<128x128xf32>
    %select_n3A_90 = arith.select %gt3A_10, %exp3A_87, %broadcast_in_dim3A_89 : vector<128x128xi1>, vector<128x128xf32>
    %reduce_sum3A_91 = arith.constant dense<0.000000e+00> : vector<128xf32>
    %reduce_sum3A_92 = vector.multi_reduction <add>, %select_n3A_90, %reduce_sum3A_91 [0] : vector<128x128xf32> to vector<128xf32>
    %broadcast_in_dim3A_93 = vector.shape_cast %reduce_sum3A_92 : vector<128xf32> to vector<1x128xf32>
    %max3A_94 = arith.constant 1.000000e-30 : f32
    %max3A_95 = vector.broadcast %max3A_94 : f32 to vector<1x128xf32>
    %max3A_96 = arith.maximumf %broadcast_in_dim3A_93, %max3A_95 : vector<1x128xf32>
    %slice3A_97 = vector.extract_strided_slice %dot_general3A_31 {offsets = [80, 0], sizes = [80, 128], strides = [1, 1]} : vector<640x128xf32> to vector<80x128xf32>
    %dot_general3A_98 = arith.constant dense<0.000000e+00> : vector<80x128xf32>
    %dot_general3A_99 = tpu.matmul %slice3A_97, %select_n3A_90, %dot_general3A_98 {dimension_numbers = #tpu.dot_dimension_numbers<[1], [0], [0], [1], [0, 0, 1, 1], [], []>, transpose_lhs_hint = false} : vector<80x128xf32>, vector<128x128xf32>, vector<80x128xf32> -> vector<80x128xf32>
    %div3A_100 = vector.broadcast %max3A_96 : vector<1x128xf32> to vector<80x128xf32>
    %div3A_101 = arith.divf %dot_general3A_99, %div3A_100 : vector<80x128xf32>
    %slice3A_102 = vector.extract_strided_slice %dot_general3A_33 {offsets = [0, 2], sizes = [128, 1], strides = [1, 1]} : vector<128x8xf32> to vector<128x1xf32>
    %squeeze3A_103 = vector.shape_cast %slice3A_102 : vector<128x1xf32> to vector<128xf32>
    %broadcast_in_dim3A_104 = vector.shape_cast %squeeze3A_103 : vector<128xf32> to vector<128x1xf32>
    %slice3A_105 = vector.extract_strided_slice %dot_general3A_35 {offsets = [2, 0], sizes = [1, 128], strides = [1, 1]} : vector<8x128xf32> to vector<1x128xf32>
    %squeeze3A_106 = vector.shape_cast %slice3A_105 : vector<1x128xf32> to vector<128xf32>
    %broadcast_in_dim3A_107 = vector.shape_cast %squeeze3A_106 : vector<128xf32> to vector<1x128xf32>
    %add3A_108 = vector.broadcast %broadcast_in_dim3A_104 : vector<128x1xf32> to vector<128x128xf32>
    %add3A_109 = vector.broadcast %broadcast_in_dim3A_107 : vector<1x128xf32> to vector<128x128xf32>
    %add3A_110 = arith.addf %add3A_108, %add3A_109 : vector<128x128xf32>
    %slice3A_111 = vector.extract_strided_slice %slice3A {offsets = [2, 0, 0], sizes = [1, 128, 128], strides = [1, 1, 1]} : vector<8x128x128xf32> to vector<1x128x128xf32>
    %squeeze3A_112 = vector.shape_cast %slice3A_111 : vector<1x128x128xf32> to vector<128x128xf32>
    %add3A_113 = arith.addf %add3A_110, %squeeze3A_112 : vector<128x128xf32>
    %mul3A_114 = arith.constant 2.000000e-01 : f32
    %mul3A_115 = vector.broadcast %mul3A_114 : f32 to vector<128x128xf32>
    %mul3A_116 = arith.mulf %mul3A_115, %add3A_113 : vector<128x128xf32>
    %max3A_117 = arith.maximumf %add3A_113, %mul3A_116 : vector<128x128xf32>
    %jit3A_118 = arith.constant -1.000000e+09 : f32
    %broadcast_in_dim3A_119 = vector.broadcast %jit3A_118 : f32 to vector<128x128xf32>
    %select_n3A_120 = arith.select %gt3A_10, %max3A_117, %broadcast_in_dim3A_119 : vector<128x128xi1>, vector<128x128xf32>
    %reduce_max3A_121 = arith.constant dense<0xFF800000> : vector<128xf32>
    %reduce_max3A_122 = vector.multi_reduction <maximumf>, %select_n3A_120, %reduce_max3A_121 [0] : vector<128x128xf32> to vector<128xf32>
    %broadcast_in_dim3A_123 = vector.shape_cast %reduce_max3A_122 : vector<128xf32> to vector<1x128xf32>
    %sub3A_124 = vector.broadcast %broadcast_in_dim3A_123 : vector<1x128xf32> to vector<128x128xf32>
    %sub3A_125 = arith.subf %select_n3A_120, %sub3A_124 : vector<128x128xf32>
    %exp3A_126 = math.exp %sub3A_125 : vector<128x128xf32>
    %jit3A_127 = arith.constant 0.000000e+00 : f32
    %broadcast_in_dim3A_128 = vector.broadcast %jit3A_127 : f32 to vector<128x128xf32>
    %select_n3A_129 = arith.select %gt3A_10, %exp3A_126, %broadcast_in_dim3A_128 : vector<128x128xi1>, vector<128x128xf32>
    %reduce_sum3A_130 = arith.constant dense<0.000000e+00> : vector<128xf32>
    %reduce_sum3A_131 = vector.multi_reduction <add>, %select_n3A_129, %reduce_sum3A_130 [0] : vector<128x128xf32> to vector<128xf32>
    %broadcast_in_dim3A_132 = vector.shape_cast %reduce_sum3A_131 : vector<128xf32> to vector<1x128xf32>
    %max3A_133 = arith.constant 1.000000e-30 : f32
    %max3A_134 = vector.broadcast %max3A_133 : f32 to vector<1x128xf32>
    %max3A_135 = arith.maximumf %broadcast_in_dim3A_132, %max3A_134 : vector<1x128xf32>
    %slice3A_136 = vector.extract_strided_slice %dot_general3A_31 {offsets = [160, 0], sizes = [80, 128], strides = [1, 1]} : vector<640x128xf32> to vector<80x128xf32>
    %dot_general3A_137 = arith.constant dense<0.000000e+00> : vector<80x128xf32>
    %dot_general3A_138 = tpu.matmul %slice3A_136, %select_n3A_129, %dot_general3A_137 {dimension_numbers = #tpu.dot_dimension_numbers<[1], [0], [0], [1], [0, 0, 1, 1], [], []>, transpose_lhs_hint = false} : vector<80x128xf32>, vector<128x128xf32>, vector<80x128xf32> -> vector<80x128xf32>
    %div3A_139 = vector.broadcast %max3A_135 : vector<1x128xf32> to vector<80x128xf32>
    %div3A_140 = arith.divf %dot_general3A_138, %div3A_139 : vector<80x128xf32>
    %slice3A_141 = vector.extract_strided_slice %dot_general3A_33 {offsets = [0, 3], sizes = [128, 1], strides = [1, 1]} : vector<128x8xf32> to vector<128x1xf32>
    %squeeze3A_142 = vector.shape_cast %slice3A_141 : vector<128x1xf32> to vector<128xf32>
    %broadcast_in_dim3A_143 = vector.shape_cast %squeeze3A_142 : vector<128xf32> to vector<128x1xf32>
    %slice3A_144 = vector.extract_strided_slice %dot_general3A_35 {offsets = [3, 0], sizes = [1, 128], strides = [1, 1]} : vector<8x128xf32> to vector<1x128xf32>
    %squeeze3A_145 = vector.shape_cast %slice3A_144 : vector<1x128xf32> to vector<128xf32>
    %broadcast_in_dim3A_146 = vector.shape_cast %squeeze3A_145 : vector<128xf32> to vector<1x128xf32>
    %add3A_147 = vector.broadcast %broadcast_in_dim3A_143 : vector<128x1xf32> to vector<128x128xf32>
    %add3A_148 = vector.broadcast %broadcast_in_dim3A_146 : vector<1x128xf32> to vector<128x128xf32>
    %add3A_149 = arith.addf %add3A_147, %add3A_148 : vector<128x128xf32>
    %slice3A_150 = vector.extract_strided_slice %slice3A {offsets = [3, 0, 0], sizes = [1, 128, 128], strides = [1, 1, 1]} : vector<8x128x128xf32> to vector<1x128x128xf32>
    %squeeze3A_151 = vector.shape_cast %slice3A_150 : vector<1x128x128xf32> to vector<128x128xf32>
    %add3A_152 = arith.addf %add3A_149, %squeeze3A_151 : vector<128x128xf32>
    %mul3A_153 = arith.constant 2.000000e-01 : f32
    %mul3A_154 = vector.broadcast %mul3A_153 : f32 to vector<128x128xf32>
    %mul3A_155 = arith.mulf %mul3A_154, %add3A_152 : vector<128x128xf32>
    %max3A_156 = arith.maximumf %add3A_152, %mul3A_155 : vector<128x128xf32>
    %jit3A_157 = arith.constant -1.000000e+09 : f32
    %broadcast_in_dim3A_158 = vector.broadcast %jit3A_157 : f32 to vector<128x128xf32>
    %select_n3A_159 = arith.select %gt3A_10, %max3A_156, %broadcast_in_dim3A_158 : vector<128x128xi1>, vector<128x128xf32>
    %reduce_max3A_160 = arith.constant dense<0xFF800000> : vector<128xf32>
    %reduce_max3A_161 = vector.multi_reduction <maximumf>, %select_n3A_159, %reduce_max3A_160 [0] : vector<128x128xf32> to vector<128xf32>
    %broadcast_in_dim3A_162 = vector.shape_cast %reduce_max3A_161 : vector<128xf32> to vector<1x128xf32>
    %sub3A_163 = vector.broadcast %broadcast_in_dim3A_162 : vector<1x128xf32> to vector<128x128xf32>
    %sub3A_164 = arith.subf %select_n3A_159, %sub3A_163 : vector<128x128xf32>
    %exp3A_165 = math.exp %sub3A_164 : vector<128x128xf32>
    %jit3A_166 = arith.constant 0.000000e+00 : f32
    %broadcast_in_dim3A_167 = vector.broadcast %jit3A_166 : f32 to vector<128x128xf32>
    %select_n3A_168 = arith.select %gt3A_10, %exp3A_165, %broadcast_in_dim3A_167 : vector<128x128xi1>, vector<128x128xf32>
    %reduce_sum3A_169 = arith.constant dense<0.000000e+00> : vector<128xf32>
    %reduce_sum3A_170 = vector.multi_reduction <add>, %select_n3A_168, %reduce_sum3A_169 [0] : vector<128x128xf32> to vector<128xf32>
    %broadcast_in_dim3A_171 = vector.shape_cast %reduce_sum3A_170 : vector<128xf32> to vector<1x128xf32>
    %max3A_172 = arith.constant 1.000000e-30 : f32
    %max3A_173 = vector.broadcast %max3A_172 : f32 to vector<1x128xf32>
    %max3A_174 = arith.maximumf %broadcast_in_dim3A_171, %max3A_173 : vector<1x128xf32>
    %slice3A_175 = vector.extract_strided_slice %dot_general3A_31 {offsets = [240, 0], sizes = [80, 128], strides = [1, 1]} : vector<640x128xf32> to vector<80x128xf32>
    %dot_general3A_176 = arith.constant dense<0.000000e+00> : vector<80x128xf32>
    %dot_general3A_177 = tpu.matmul %slice3A_175, %select_n3A_168, %dot_general3A_176 {dimension_numbers = #tpu.dot_dimension_numbers<[1], [0], [0], [1], [0, 0, 1, 1], [], []>, transpose_lhs_hint = false} : vector<80x128xf32>, vector<128x128xf32>, vector<80x128xf32> -> vector<80x128xf32>
    %div3A_178 = vector.broadcast %max3A_174 : vector<1x128xf32> to vector<80x128xf32>
    %div3A_179 = arith.divf %dot_general3A_177, %div3A_178 : vector<80x128xf32>
    %slice3A_180 = vector.extract_strided_slice %dot_general3A_33 {offsets = [0, 4], sizes = [128, 1], strides = [1, 1]} : vector<128x8xf32> to vector<128x1xf32>
    %squeeze3A_181 = vector.shape_cast %slice3A_180 : vector<128x1xf32> to vector<128xf32>
    %broadcast_in_dim3A_182 = vector.shape_cast %squeeze3A_181 : vector<128xf32> to vector<128x1xf32>
    %slice3A_183 = vector.extract_strided_slice %dot_general3A_35 {offsets = [4, 0], sizes = [1, 128], strides = [1, 1]} : vector<8x128xf32> to vector<1x128xf32>
    %squeeze3A_184 = vector.shape_cast %slice3A_183 : vector<1x128xf32> to vector<128xf32>
    %broadcast_in_dim3A_185 = vector.shape_cast %squeeze3A_184 : vector<128xf32> to vector<1x128xf32>
    %add3A_186 = vector.broadcast %broadcast_in_dim3A_182 : vector<128x1xf32> to vector<128x128xf32>
    %add3A_187 = vector.broadcast %broadcast_in_dim3A_185 : vector<1x128xf32> to vector<128x128xf32>
    %add3A_188 = arith.addf %add3A_186, %add3A_187 : vector<128x128xf32>
    %slice3A_189 = vector.extract_strided_slice %slice3A {offsets = [4, 0, 0], sizes = [1, 128, 128], strides = [1, 1, 1]} : vector<8x128x128xf32> to vector<1x128x128xf32>
    %squeeze3A_190 = vector.shape_cast %slice3A_189 : vector<1x128x128xf32> to vector<128x128xf32>
    %add3A_191 = arith.addf %add3A_188, %squeeze3A_190 : vector<128x128xf32>
    %mul3A_192 = arith.constant 2.000000e-01 : f32
    %mul3A_193 = vector.broadcast %mul3A_192 : f32 to vector<128x128xf32>
    %mul3A_194 = arith.mulf %mul3A_193, %add3A_191 : vector<128x128xf32>
    %max3A_195 = arith.maximumf %add3A_191, %mul3A_194 : vector<128x128xf32>
    %jit3A_196 = arith.constant -1.000000e+09 : f32
    %broadcast_in_dim3A_197 = vector.broadcast %jit3A_196 : f32 to vector<128x128xf32>
    %select_n3A_198 = arith.select %gt3A_10, %max3A_195, %broadcast_in_dim3A_197 : vector<128x128xi1>, vector<128x128xf32>
    %reduce_max3A_199 = arith.constant dense<0xFF800000> : vector<128xf32>
    %reduce_max3A_200 = vector.multi_reduction <maximumf>, %select_n3A_198, %reduce_max3A_199 [0] : vector<128x128xf32> to vector<128xf32>
    %broadcast_in_dim3A_201 = vector.shape_cast %reduce_max3A_200 : vector<128xf32> to vector<1x128xf32>
    %sub3A_202 = vector.broadcast %broadcast_in_dim3A_201 : vector<1x128xf32> to vector<128x128xf32>
    %sub3A_203 = arith.subf %select_n3A_198, %sub3A_202 : vector<128x128xf32>
    %exp3A_204 = math.exp %sub3A_203 : vector<128x128xf32>
    %jit3A_205 = arith.constant 0.000000e+00 : f32
    %broadcast_in_dim3A_206 = vector.broadcast %jit3A_205 : f32 to vector<128x128xf32>
    %select_n3A_207 = arith.select %gt3A_10, %exp3A_204, %broadcast_in_dim3A_206 : vector<128x128xi1>, vector<128x128xf32>
    %reduce_sum3A_208 = arith.constant dense<0.000000e+00> : vector<128xf32>
    %reduce_sum3A_209 = vector.multi_reduction <add>, %select_n3A_207, %reduce_sum3A_208 [0] : vector<128x128xf32> to vector<128xf32>
    %broadcast_in_dim3A_210 = vector.shape_cast %reduce_sum3A_209 : vector<128xf32> to vector<1x128xf32>
    %max3A_211 = arith.constant 1.000000e-30 : f32
    %max3A_212 = vector.broadcast %max3A_211 : f32 to vector<1x128xf32>
    %max3A_213 = arith.maximumf %broadcast_in_dim3A_210, %max3A_212 : vector<1x128xf32>
    %slice3A_214 = vector.extract_strided_slice %dot_general3A_31 {offsets = [320, 0], sizes = [80, 128], strides = [1, 1]} : vector<640x128xf32> to vector<80x128xf32>
    %dot_general3A_215 = arith.constant dense<0.000000e+00> : vector<80x128xf32>
    %dot_general3A_216 = tpu.matmul %slice3A_214, %select_n3A_207, %dot_general3A_215 {dimension_numbers = #tpu.dot_dimension_numbers<[1], [0], [0], [1], [0, 0, 1, 1], [], []>, transpose_lhs_hint = false} : vector<80x128xf32>, vector<128x128xf32>, vector<80x128xf32> -> vector<80x128xf32>
    %div3A_217 = vector.broadcast %max3A_213 : vector<1x128xf32> to vector<80x128xf32>
    %div3A_218 = arith.divf %dot_general3A_216, %div3A_217 : vector<80x128xf32>
    %slice3A_219 = vector.extract_strided_slice %dot_general3A_33 {offsets = [0, 5], sizes = [128, 1], strides = [1, 1]} : vector<128x8xf32> to vector<128x1xf32>
    %squeeze3A_220 = vector.shape_cast %slice3A_219 : vector<128x1xf32> to vector<128xf32>
    %broadcast_in_dim3A_221 = vector.shape_cast %squeeze3A_220 : vector<128xf32> to vector<128x1xf32>
    %slice3A_222 = vector.extract_strided_slice %dot_general3A_35 {offsets = [5, 0], sizes = [1, 128], strides = [1, 1]} : vector<8x128xf32> to vector<1x128xf32>
    %squeeze3A_223 = vector.shape_cast %slice3A_222 : vector<1x128xf32> to vector<128xf32>
    %broadcast_in_dim3A_224 = vector.shape_cast %squeeze3A_223 : vector<128xf32> to vector<1x128xf32>
    %add3A_225 = vector.broadcast %broadcast_in_dim3A_221 : vector<128x1xf32> to vector<128x128xf32>
    %add3A_226 = vector.broadcast %broadcast_in_dim3A_224 : vector<1x128xf32> to vector<128x128xf32>
    %add3A_227 = arith.addf %add3A_225, %add3A_226 : vector<128x128xf32>
    %slice3A_228 = vector.extract_strided_slice %slice3A {offsets = [5, 0, 0], sizes = [1, 128, 128], strides = [1, 1, 1]} : vector<8x128x128xf32> to vector<1x128x128xf32>
    %squeeze3A_229 = vector.shape_cast %slice3A_228 : vector<1x128x128xf32> to vector<128x128xf32>
    %add3A_230 = arith.addf %add3A_227, %squeeze3A_229 : vector<128x128xf32>
    %mul3A_231 = arith.constant 2.000000e-01 : f32
    %mul3A_232 = vector.broadcast %mul3A_231 : f32 to vector<128x128xf32>
    %mul3A_233 = arith.mulf %mul3A_232, %add3A_230 : vector<128x128xf32>
    %max3A_234 = arith.maximumf %add3A_230, %mul3A_233 : vector<128x128xf32>
    %jit3A_235 = arith.constant -1.000000e+09 : f32
    %broadcast_in_dim3A_236 = vector.broadcast %jit3A_235 : f32 to vector<128x128xf32>
    %select_n3A_237 = arith.select %gt3A_10, %max3A_234, %broadcast_in_dim3A_236 : vector<128x128xi1>, vector<128x128xf32>
    %reduce_max3A_238 = arith.constant dense<0xFF800000> : vector<128xf32>
    %reduce_max3A_239 = vector.multi_reduction <maximumf>, %select_n3A_237, %reduce_max3A_238 [0] : vector<128x128xf32> to vector<128xf32>
    %broadcast_in_dim3A_240 = vector.shape_cast %reduce_max3A_239 : vector<128xf32> to vector<1x128xf32>
    %sub3A_241 = vector.broadcast %broadcast_in_dim3A_240 : vector<1x128xf32> to vector<128x128xf32>
    %sub3A_242 = arith.subf %select_n3A_237, %sub3A_241 : vector<128x128xf32>
    %exp3A_243 = math.exp %sub3A_242 : vector<128x128xf32>
    %jit3A_244 = arith.constant 0.000000e+00 : f32
    %broadcast_in_dim3A_245 = vector.broadcast %jit3A_244 : f32 to vector<128x128xf32>
    %select_n3A_246 = arith.select %gt3A_10, %exp3A_243, %broadcast_in_dim3A_245 : vector<128x128xi1>, vector<128x128xf32>
    %reduce_sum3A_247 = arith.constant dense<0.000000e+00> : vector<128xf32>
    %reduce_sum3A_248 = vector.multi_reduction <add>, %select_n3A_246, %reduce_sum3A_247 [0] : vector<128x128xf32> to vector<128xf32>
    %broadcast_in_dim3A_249 = vector.shape_cast %reduce_sum3A_248 : vector<128xf32> to vector<1x128xf32>
    %max3A_250 = arith.constant 1.000000e-30 : f32
    %max3A_251 = vector.broadcast %max3A_250 : f32 to vector<1x128xf32>
    %max3A_252 = arith.maximumf %broadcast_in_dim3A_249, %max3A_251 : vector<1x128xf32>
    %slice3A_253 = vector.extract_strided_slice %dot_general3A_31 {offsets = [400, 0], sizes = [80, 128], strides = [1, 1]} : vector<640x128xf32> to vector<80x128xf32>
    %dot_general3A_254 = arith.constant dense<0.000000e+00> : vector<80x128xf32>
    %dot_general3A_255 = tpu.matmul %slice3A_253, %select_n3A_246, %dot_general3A_254 {dimension_numbers = #tpu.dot_dimension_numbers<[1], [0], [0], [1], [0, 0, 1, 1], [], []>, transpose_lhs_hint = false} : vector<80x128xf32>, vector<128x128xf32>, vector<80x128xf32> -> vector<80x128xf32>
    %div3A_256 = vector.broadcast %max3A_252 : vector<1x128xf32> to vector<80x128xf32>
    %div3A_257 = arith.divf %dot_general3A_255, %div3A_256 : vector<80x128xf32>
    %slice3A_258 = vector.extract_strided_slice %dot_general3A_33 {offsets = [0, 6], sizes = [128, 1], strides = [1, 1]} : vector<128x8xf32> to vector<128x1xf32>
    %squeeze3A_259 = vector.shape_cast %slice3A_258 : vector<128x1xf32> to vector<128xf32>
    %broadcast_in_dim3A_260 = vector.shape_cast %squeeze3A_259 : vector<128xf32> to vector<128x1xf32>
    %slice3A_261 = vector.extract_strided_slice %dot_general3A_35 {offsets = [6, 0], sizes = [1, 128], strides = [1, 1]} : vector<8x128xf32> to vector<1x128xf32>
    %squeeze3A_262 = vector.shape_cast %slice3A_261 : vector<1x128xf32> to vector<128xf32>
    %broadcast_in_dim3A_263 = vector.shape_cast %squeeze3A_262 : vector<128xf32> to vector<1x128xf32>
    %add3A_264 = vector.broadcast %broadcast_in_dim3A_260 : vector<128x1xf32> to vector<128x128xf32>
    %add3A_265 = vector.broadcast %broadcast_in_dim3A_263 : vector<1x128xf32> to vector<128x128xf32>
    %add3A_266 = arith.addf %add3A_264, %add3A_265 : vector<128x128xf32>
    %slice3A_267 = vector.extract_strided_slice %slice3A {offsets = [6, 0, 0], sizes = [1, 128, 128], strides = [1, 1, 1]} : vector<8x128x128xf32> to vector<1x128x128xf32>
    %squeeze3A_268 = vector.shape_cast %slice3A_267 : vector<1x128x128xf32> to vector<128x128xf32>
    %add3A_269 = arith.addf %add3A_266, %squeeze3A_268 : vector<128x128xf32>
    %mul3A_270 = arith.constant 2.000000e-01 : f32
    %mul3A_271 = vector.broadcast %mul3A_270 : f32 to vector<128x128xf32>
    %mul3A_272 = arith.mulf %mul3A_271, %add3A_269 : vector<128x128xf32>
    %max3A_273 = arith.maximumf %add3A_269, %mul3A_272 : vector<128x128xf32>
    %jit3A_274 = arith.constant -1.000000e+09 : f32
    %broadcast_in_dim3A_275 = vector.broadcast %jit3A_274 : f32 to vector<128x128xf32>
    %select_n3A_276 = arith.select %gt3A_10, %max3A_273, %broadcast_in_dim3A_275 : vector<128x128xi1>, vector<128x128xf32>
    %reduce_max3A_277 = arith.constant dense<0xFF800000> : vector<128xf32>
    %reduce_max3A_278 = vector.multi_reduction <maximumf>, %select_n3A_276, %reduce_max3A_277 [0] : vector<128x128xf32> to vector<128xf32>
    %broadcast_in_dim3A_279 = vector.shape_cast %reduce_max3A_278 : vector<128xf32> to vector<1x128xf32>
    %sub3A_280 = vector.broadcast %broadcast_in_dim3A_279 : vector<1x128xf32> to vector<128x128xf32>
    %sub3A_281 = arith.subf %select_n3A_276, %sub3A_280 : vector<128x128xf32>
    %exp3A_282 = math.exp %sub3A_281 : vector<128x128xf32>
    %jit3A_283 = arith.constant 0.000000e+00 : f32
    %broadcast_in_dim3A_284 = vector.broadcast %jit3A_283 : f32 to vector<128x128xf32>
    %select_n3A_285 = arith.select %gt3A_10, %exp3A_282, %broadcast_in_dim3A_284 : vector<128x128xi1>, vector<128x128xf32>
    %reduce_sum3A_286 = arith.constant dense<0.000000e+00> : vector<128xf32>
    %reduce_sum3A_287 = vector.multi_reduction <add>, %select_n3A_285, %reduce_sum3A_286 [0] : vector<128x128xf32> to vector<128xf32>
    %broadcast_in_dim3A_288 = vector.shape_cast %reduce_sum3A_287 : vector<128xf32> to vector<1x128xf32>
    %max3A_289 = arith.constant 1.000000e-30 : f32
    %max3A_290 = vector.broadcast %max3A_289 : f32 to vector<1x128xf32>
    %max3A_291 = arith.maximumf %broadcast_in_dim3A_288, %max3A_290 : vector<1x128xf32>
    %slice3A_292 = vector.extract_strided_slice %dot_general3A_31 {offsets = [480, 0], sizes = [80, 128], strides = [1, 1]} : vector<640x128xf32> to vector<80x128xf32>
    %dot_general3A_293 = arith.constant dense<0.000000e+00> : vector<80x128xf32>
    %dot_general3A_294 = tpu.matmul %slice3A_292, %select_n3A_285, %dot_general3A_293 {dimension_numbers = #tpu.dot_dimension_numbers<[1], [0], [0], [1], [0, 0, 1, 1], [], []>, transpose_lhs_hint = false} : vector<80x128xf32>, vector<128x128xf32>, vector<80x128xf32> -> vector<80x128xf32>
    %div3A_295 = vector.broadcast %max3A_291 : vector<1x128xf32> to vector<80x128xf32>
    %div3A_296 = arith.divf %dot_general3A_294, %div3A_295 : vector<80x128xf32>
    %slice3A_297 = vector.extract_strided_slice %dot_general3A_33 {offsets = [0, 7], sizes = [128, 1], strides = [1, 1]} : vector<128x8xf32> to vector<128x1xf32>
    %squeeze3A_298 = vector.shape_cast %slice3A_297 : vector<128x1xf32> to vector<128xf32>
    %broadcast_in_dim3A_299 = vector.shape_cast %squeeze3A_298 : vector<128xf32> to vector<128x1xf32>
    %slice3A_300 = vector.extract_strided_slice %dot_general3A_35 {offsets = [7, 0], sizes = [1, 128], strides = [1, 1]} : vector<8x128xf32> to vector<1x128xf32>
    %squeeze3A_301 = vector.shape_cast %slice3A_300 : vector<1x128xf32> to vector<128xf32>
    %broadcast_in_dim3A_302 = vector.shape_cast %squeeze3A_301 : vector<128xf32> to vector<1x128xf32>
    %add3A_303 = vector.broadcast %broadcast_in_dim3A_299 : vector<128x1xf32> to vector<128x128xf32>
    %add3A_304 = vector.broadcast %broadcast_in_dim3A_302 : vector<1x128xf32> to vector<128x128xf32>
    %add3A_305 = arith.addf %add3A_303, %add3A_304 : vector<128x128xf32>
    %slice3A_306 = vector.extract_strided_slice %slice3A {offsets = [7, 0, 0], sizes = [1, 128, 128], strides = [1, 1, 1]} : vector<8x128x128xf32> to vector<1x128x128xf32>
    %squeeze3A_307 = vector.shape_cast %slice3A_306 : vector<1x128x128xf32> to vector<128x128xf32>
    %add3A_308 = arith.addf %add3A_305, %squeeze3A_307 : vector<128x128xf32>
    %mul3A_309 = arith.constant 2.000000e-01 : f32
    %mul3A_310 = vector.broadcast %mul3A_309 : f32 to vector<128x128xf32>
    %mul3A_311 = arith.mulf %mul3A_310, %add3A_308 : vector<128x128xf32>
    %max3A_312 = arith.maximumf %add3A_308, %mul3A_311 : vector<128x128xf32>
    %jit3A_313 = arith.constant -1.000000e+09 : f32
    %broadcast_in_dim3A_314 = vector.broadcast %jit3A_313 : f32 to vector<128x128xf32>
    %select_n3A_315 = arith.select %gt3A_10, %max3A_312, %broadcast_in_dim3A_314 : vector<128x128xi1>, vector<128x128xf32>
    %reduce_max3A_316 = arith.constant dense<0xFF800000> : vector<128xf32>
    %reduce_max3A_317 = vector.multi_reduction <maximumf>, %select_n3A_315, %reduce_max3A_316 [0] : vector<128x128xf32> to vector<128xf32>
    %broadcast_in_dim3A_318 = vector.shape_cast %reduce_max3A_317 : vector<128xf32> to vector<1x128xf32>
    %sub3A_319 = vector.broadcast %broadcast_in_dim3A_318 : vector<1x128xf32> to vector<128x128xf32>
    %sub3A_320 = arith.subf %select_n3A_315, %sub3A_319 : vector<128x128xf32>
    %exp3A_321 = math.exp %sub3A_320 : vector<128x128xf32>
    %jit3A_322 = arith.constant 0.000000e+00 : f32
    %broadcast_in_dim3A_323 = vector.broadcast %jit3A_322 : f32 to vector<128x128xf32>
    %select_n3A_324 = arith.select %gt3A_10, %exp3A_321, %broadcast_in_dim3A_323 : vector<128x128xi1>, vector<128x128xf32>
    %reduce_sum3A_325 = arith.constant dense<0.000000e+00> : vector<128xf32>
    %reduce_sum3A_326 = vector.multi_reduction <add>, %select_n3A_324, %reduce_sum3A_325 [0] : vector<128x128xf32> to vector<128xf32>
    %broadcast_in_dim3A_327 = vector.shape_cast %reduce_sum3A_326 : vector<128xf32> to vector<1x128xf32>
    %max3A_328 = arith.constant 1.000000e-30 : f32
    %max3A_329 = vector.broadcast %max3A_328 : f32 to vector<1x128xf32>
    %max3A_330 = arith.maximumf %broadcast_in_dim3A_327, %max3A_329 : vector<1x128xf32>
    %slice3A_331 = vector.extract_strided_slice %dot_general3A_31 {offsets = [560, 0], sizes = [80, 128], strides = [1, 1]} : vector<640x128xf32> to vector<80x128xf32>
    %dot_general3A_332 = arith.constant dense<0.000000e+00> : vector<80x128xf32>
    %dot_general3A_333 = tpu.matmul %slice3A_331, %select_n3A_324, %dot_general3A_332 {dimension_numbers = #tpu.dot_dimension_numbers<[1], [0], [0], [1], [0, 0, 1, 1], [], []>, transpose_lhs_hint = false} : vector<80x128xf32>, vector<128x128xf32>, vector<80x128xf32> -> vector<80x128xf32>
    %div3A_334 = vector.broadcast %max3A_330 : vector<1x128xf32> to vector<80x128xf32>
    %div3A_335 = arith.divf %dot_general3A_333, %div3A_334 : vector<80x128xf32>
    %concatenate3A = tpu.concatenate %div3A_62, %div3A_101, %div3A_140, %div3A_179, %div3A_218, %div3A_257, %div3A_296, %div3A_335 in 0 : vector<80x128xf32>, vector<80x128xf32>, vector<80x128xf32>, vector<80x128xf32>, vector<80x128xf32>, vector<80x128xf32>, vector<80x128xf32>, vector<80x128xf32> -> vector<640x128xf32>
    %add3A_336 = vector.broadcast %get3A_29 : vector<640x1xf32> to vector<640x128xf32>
    %add3A_337 = arith.addf %concatenate3A, %add3A_336 : vector<640x128xf32>
    %slice3A_338 = vector.extract_strided_slice %reshape3A {offsets = [8, 0, 0], sizes = [8, 128, 128], strides = [1, 1, 1]} : vector<17x128x128xf32> to vector<8x128x128xf32>
    %get3A_339 = arith.constant 0 : index
    %get3A_340 = arith.constant 0 : index
    %get3A_341 = vector.load %arg8[%get3A_339, %get3A_340] : memref<640x640xf32, #tpu.memory_space<vmem>>, vector<640x640xf32>
    %get3A_342 = arith.constant 0 : index
    %get3A_343 = arith.constant 0 : index
    %get3A_344 = vector.load %arg9[%get3A_342, %get3A_343] : memref<640x8xf32, #tpu.memory_space<vmem>>, vector<640x8xf32>
    %get3A_345 = arith.constant 0 : index
    %get3A_346 = arith.constant 0 : index
    %get3A_347 = vector.load %arg10[%get3A_345, %get3A_346] : memref<640x8xf32, #tpu.memory_space<vmem>>, vector<640x8xf32>
    %get3A_348 = arith.constant 0 : index
    %get3A_349 = arith.constant 0 : index
    %get3A_350 = vector.load %arg11[%get3A_348, %get3A_349] : memref<640x1xf32, #tpu.memory_space<vmem>>, vector<640x1xf32>
    %dot_general3A_351 = arith.constant dense<0.000000e+00> : vector<640x128xf32>
    %dot_general3A_352 = tpu.matmul %get3A_341, %add3A_337, %dot_general3A_351 {dimension_numbers = #tpu.dot_dimension_numbers<[1], [0], [0], [1], [0, 0, 1, 1], [], []>, transpose_lhs_hint = false} : vector<640x640xf32>, vector<640x128xf32>, vector<640x128xf32> -> vector<640x128xf32>
    %dot_general3A_353 = arith.constant dense<0.000000e+00> : vector<128x8xf32>
    %dot_general3A_354 = tpu.matmul %add3A_337, %get3A_344, %dot_general3A_353 {dimension_numbers = #tpu.dot_dimension_numbers<[0], [0], [1], [1], [0, 1, 1, 1], [], []>, transpose_lhs_hint = false} : vector<640x128xf32>, vector<640x8xf32>, vector<128x8xf32> -> vector<128x8xf32>
    %dot_general3A_355 = arith.constant dense<0.000000e+00> : vector<8x128xf32>
    %dot_general3A_356 = tpu.matmul %get3A_347, %add3A_337, %dot_general3A_355 {dimension_numbers = #tpu.dot_dimension_numbers<[0], [0], [1], [1], [0, 1, 1, 1], [], []>, transpose_lhs_hint = false} : vector<640x8xf32>, vector<640x128xf32>, vector<8x128xf32> -> vector<8x128xf32>
    %slice3A_357 = vector.extract_strided_slice %dot_general3A_354 {offsets = [0, 0], sizes = [128, 1], strides = [1, 1]} : vector<128x8xf32> to vector<128x1xf32>
    %squeeze3A_358 = vector.shape_cast %slice3A_357 : vector<128x1xf32> to vector<128xf32>
    %broadcast_in_dim3A_359 = vector.shape_cast %squeeze3A_358 : vector<128xf32> to vector<128x1xf32>
    %slice3A_360 = vector.extract_strided_slice %dot_general3A_356 {offsets = [0, 0], sizes = [1, 128], strides = [1, 1]} : vector<8x128xf32> to vector<1x128xf32>
    %squeeze3A_361 = vector.shape_cast %slice3A_360 : vector<1x128xf32> to vector<128xf32>
    %broadcast_in_dim3A_362 = vector.shape_cast %squeeze3A_361 : vector<128xf32> to vector<1x128xf32>
    %add3A_363 = vector.broadcast %broadcast_in_dim3A_359 : vector<128x1xf32> to vector<128x128xf32>
    %add3A_364 = vector.broadcast %broadcast_in_dim3A_362 : vector<1x128xf32> to vector<128x128xf32>
    %add3A_365 = arith.addf %add3A_363, %add3A_364 : vector<128x128xf32>
    %slice3A_366 = vector.extract_strided_slice %slice3A_338 {offsets = [0, 0, 0], sizes = [1, 128, 128], strides = [1, 1, 1]} : vector<8x128x128xf32> to vector<1x128x128xf32>
    %squeeze3A_367 = vector.shape_cast %slice3A_366 : vector<1x128x128xf32> to vector<128x128xf32>
    %add3A_368 = arith.addf %add3A_365, %squeeze3A_367 : vector<128x128xf32>
    %mul3A_369 = arith.constant 2.000000e-01 : f32
    %mul3A_370 = vector.broadcast %mul3A_369 : f32 to vector<128x128xf32>
    %mul3A_371 = arith.mulf %mul3A_370, %add3A_368 : vector<128x128xf32>
    %max3A_372 = arith.maximumf %add3A_368, %mul3A_371 : vector<128x128xf32>
    %jit3A_373 = arith.constant -1.000000e+09 : f32
    %broadcast_in_dim3A_374 = vector.broadcast %jit3A_373 : f32 to vector<128x128xf32>
    %select_n3A_375 = arith.select %gt3A_10, %max3A_372, %broadcast_in_dim3A_374 : vector<128x128xi1>, vector<128x128xf32>
    %reduce_max3A_376 = arith.constant dense<0xFF800000> : vector<128xf32>
    %reduce_max3A_377 = vector.multi_reduction <maximumf>, %select_n3A_375, %reduce_max3A_376 [0] : vector<128x128xf32> to vector<128xf32>
    %broadcast_in_dim3A_378 = vector.shape_cast %reduce_max3A_377 : vector<128xf32> to vector<1x128xf32>
    %sub3A_379 = vector.broadcast %broadcast_in_dim3A_378 : vector<1x128xf32> to vector<128x128xf32>
    %sub3A_380 = arith.subf %select_n3A_375, %sub3A_379 : vector<128x128xf32>
    %exp3A_381 = math.exp %sub3A_380 : vector<128x128xf32>
    %jit3A_382 = arith.constant 0.000000e+00 : f32
    %broadcast_in_dim3A_383 = vector.broadcast %jit3A_382 : f32 to vector<128x128xf32>
    %select_n3A_384 = arith.select %gt3A_10, %exp3A_381, %broadcast_in_dim3A_383 : vector<128x128xi1>, vector<128x128xf32>
    %reduce_sum3A_385 = arith.constant dense<0.000000e+00> : vector<128xf32>
    %reduce_sum3A_386 = vector.multi_reduction <add>, %select_n3A_384, %reduce_sum3A_385 [0] : vector<128x128xf32> to vector<128xf32>
    %broadcast_in_dim3A_387 = vector.shape_cast %reduce_sum3A_386 : vector<128xf32> to vector<1x128xf32>
    %max3A_388 = arith.constant 1.000000e-30 : f32
    %max3A_389 = vector.broadcast %max3A_388 : f32 to vector<1x128xf32>
    %max3A_390 = arith.maximumf %broadcast_in_dim3A_387, %max3A_389 : vector<1x128xf32>
    %slice3A_391 = vector.extract_strided_slice %dot_general3A_352 {offsets = [0, 0], sizes = [80, 128], strides = [1, 1]} : vector<640x128xf32> to vector<80x128xf32>
    %dot_general3A_392 = arith.constant dense<0.000000e+00> : vector<80x128xf32>
    %dot_general3A_393 = tpu.matmul %slice3A_391, %select_n3A_384, %dot_general3A_392 {dimension_numbers = #tpu.dot_dimension_numbers<[1], [0], [0], [1], [0, 0, 1, 1], [], []>, transpose_lhs_hint = false} : vector<80x128xf32>, vector<128x128xf32>, vector<80x128xf32> -> vector<80x128xf32>
    %div3A_394 = vector.broadcast %max3A_390 : vector<1x128xf32> to vector<80x128xf32>
    %div3A_395 = arith.divf %dot_general3A_393, %div3A_394 : vector<80x128xf32>
    %slice3A_396 = vector.extract_strided_slice %dot_general3A_354 {offsets = [0, 1], sizes = [128, 1], strides = [1, 1]} : vector<128x8xf32> to vector<128x1xf32>
    %squeeze3A_397 = vector.shape_cast %slice3A_396 : vector<128x1xf32> to vector<128xf32>
    %broadcast_in_dim3A_398 = vector.shape_cast %squeeze3A_397 : vector<128xf32> to vector<128x1xf32>
    %slice3A_399 = vector.extract_strided_slice %dot_general3A_356 {offsets = [1, 0], sizes = [1, 128], strides = [1, 1]} : vector<8x128xf32> to vector<1x128xf32>
    %squeeze3A_400 = vector.shape_cast %slice3A_399 : vector<1x128xf32> to vector<128xf32>
    %broadcast_in_dim3A_401 = vector.shape_cast %squeeze3A_400 : vector<128xf32> to vector<1x128xf32>
    %add3A_402 = vector.broadcast %broadcast_in_dim3A_398 : vector<128x1xf32> to vector<128x128xf32>
    %add3A_403 = vector.broadcast %broadcast_in_dim3A_401 : vector<1x128xf32> to vector<128x128xf32>
    %add3A_404 = arith.addf %add3A_402, %add3A_403 : vector<128x128xf32>
    %slice3A_405 = vector.extract_strided_slice %slice3A_338 {offsets = [1, 0, 0], sizes = [1, 128, 128], strides = [1, 1, 1]} : vector<8x128x128xf32> to vector<1x128x128xf32>
    %squeeze3A_406 = vector.shape_cast %slice3A_405 : vector<1x128x128xf32> to vector<128x128xf32>
    %add3A_407 = arith.addf %add3A_404, %squeeze3A_406 : vector<128x128xf32>
    %mul3A_408 = arith.constant 2.000000e-01 : f32
    %mul3A_409 = vector.broadcast %mul3A_408 : f32 to vector<128x128xf32>
    %mul3A_410 = arith.mulf %mul3A_409, %add3A_407 : vector<128x128xf32>
    %max3A_411 = arith.maximumf %add3A_407, %mul3A_410 : vector<128x128xf32>
    %jit3A_412 = arith.constant -1.000000e+09 : f32
    %broadcast_in_dim3A_413 = vector.broadcast %jit3A_412 : f32 to vector<128x128xf32>
    %select_n3A_414 = arith.select %gt3A_10, %max3A_411, %broadcast_in_dim3A_413 : vector<128x128xi1>, vector<128x128xf32>
    %reduce_max3A_415 = arith.constant dense<0xFF800000> : vector<128xf32>
    %reduce_max3A_416 = vector.multi_reduction <maximumf>, %select_n3A_414, %reduce_max3A_415 [0] : vector<128x128xf32> to vector<128xf32>
    %broadcast_in_dim3A_417 = vector.shape_cast %reduce_max3A_416 : vector<128xf32> to vector<1x128xf32>
    %sub3A_418 = vector.broadcast %broadcast_in_dim3A_417 : vector<1x128xf32> to vector<128x128xf32>
    %sub3A_419 = arith.subf %select_n3A_414, %sub3A_418 : vector<128x128xf32>
    %exp3A_420 = math.exp %sub3A_419 : vector<128x128xf32>
    %jit3A_421 = arith.constant 0.000000e+00 : f32
    %broadcast_in_dim3A_422 = vector.broadcast %jit3A_421 : f32 to vector<128x128xf32>
    %select_n3A_423 = arith.select %gt3A_10, %exp3A_420, %broadcast_in_dim3A_422 : vector<128x128xi1>, vector<128x128xf32>
    %reduce_sum3A_424 = arith.constant dense<0.000000e+00> : vector<128xf32>
    %reduce_sum3A_425 = vector.multi_reduction <add>, %select_n3A_423, %reduce_sum3A_424 [0] : vector<128x128xf32> to vector<128xf32>
    %broadcast_in_dim3A_426 = vector.shape_cast %reduce_sum3A_425 : vector<128xf32> to vector<1x128xf32>
    %max3A_427 = arith.constant 1.000000e-30 : f32
    %max3A_428 = vector.broadcast %max3A_427 : f32 to vector<1x128xf32>
    %max3A_429 = arith.maximumf %broadcast_in_dim3A_426, %max3A_428 : vector<1x128xf32>
    %slice3A_430 = vector.extract_strided_slice %dot_general3A_352 {offsets = [80, 0], sizes = [80, 128], strides = [1, 1]} : vector<640x128xf32> to vector<80x128xf32>
    %dot_general3A_431 = arith.constant dense<0.000000e+00> : vector<80x128xf32>
    %dot_general3A_432 = tpu.matmul %slice3A_430, %select_n3A_423, %dot_general3A_431 {dimension_numbers = #tpu.dot_dimension_numbers<[1], [0], [0], [1], [0, 0, 1, 1], [], []>, transpose_lhs_hint = false} : vector<80x128xf32>, vector<128x128xf32>, vector<80x128xf32> -> vector<80x128xf32>
    %div3A_433 = vector.broadcast %max3A_429 : vector<1x128xf32> to vector<80x128xf32>
    %div3A_434 = arith.divf %dot_general3A_432, %div3A_433 : vector<80x128xf32>
    %slice3A_435 = vector.extract_strided_slice %dot_general3A_354 {offsets = [0, 2], sizes = [128, 1], strides = [1, 1]} : vector<128x8xf32> to vector<128x1xf32>
    %squeeze3A_436 = vector.shape_cast %slice3A_435 : vector<128x1xf32> to vector<128xf32>
    %broadcast_in_dim3A_437 = vector.shape_cast %squeeze3A_436 : vector<128xf32> to vector<128x1xf32>
    %slice3A_438 = vector.extract_strided_slice %dot_general3A_356 {offsets = [2, 0], sizes = [1, 128], strides = [1, 1]} : vector<8x128xf32> to vector<1x128xf32>
    %squeeze3A_439 = vector.shape_cast %slice3A_438 : vector<1x128xf32> to vector<128xf32>
    %broadcast_in_dim3A_440 = vector.shape_cast %squeeze3A_439 : vector<128xf32> to vector<1x128xf32>
    %add3A_441 = vector.broadcast %broadcast_in_dim3A_437 : vector<128x1xf32> to vector<128x128xf32>
    %add3A_442 = vector.broadcast %broadcast_in_dim3A_440 : vector<1x128xf32> to vector<128x128xf32>
    %add3A_443 = arith.addf %add3A_441, %add3A_442 : vector<128x128xf32>
    %slice3A_444 = vector.extract_strided_slice %slice3A_338 {offsets = [2, 0, 0], sizes = [1, 128, 128], strides = [1, 1, 1]} : vector<8x128x128xf32> to vector<1x128x128xf32>
    %squeeze3A_445 = vector.shape_cast %slice3A_444 : vector<1x128x128xf32> to vector<128x128xf32>
    %add3A_446 = arith.addf %add3A_443, %squeeze3A_445 : vector<128x128xf32>
    %mul3A_447 = arith.constant 2.000000e-01 : f32
    %mul3A_448 = vector.broadcast %mul3A_447 : f32 to vector<128x128xf32>
    %mul3A_449 = arith.mulf %mul3A_448, %add3A_446 : vector<128x128xf32>
    %max3A_450 = arith.maximumf %add3A_446, %mul3A_449 : vector<128x128xf32>
    %jit3A_451 = arith.constant -1.000000e+09 : f32
    %broadcast_in_dim3A_452 = vector.broadcast %jit3A_451 : f32 to vector<128x128xf32>
    %select_n3A_453 = arith.select %gt3A_10, %max3A_450, %broadcast_in_dim3A_452 : vector<128x128xi1>, vector<128x128xf32>
    %reduce_max3A_454 = arith.constant dense<0xFF800000> : vector<128xf32>
    %reduce_max3A_455 = vector.multi_reduction <maximumf>, %select_n3A_453, %reduce_max3A_454 [0] : vector<128x128xf32> to vector<128xf32>
    %broadcast_in_dim3A_456 = vector.shape_cast %reduce_max3A_455 : vector<128xf32> to vector<1x128xf32>
    %sub3A_457 = vector.broadcast %broadcast_in_dim3A_456 : vector<1x128xf32> to vector<128x128xf32>
    %sub3A_458 = arith.subf %select_n3A_453, %sub3A_457 : vector<128x128xf32>
    %exp3A_459 = math.exp %sub3A_458 : vector<128x128xf32>
    %jit3A_460 = arith.constant 0.000000e+00 : f32
    %broadcast_in_dim3A_461 = vector.broadcast %jit3A_460 : f32 to vector<128x128xf32>
    %select_n3A_462 = arith.select %gt3A_10, %exp3A_459, %broadcast_in_dim3A_461 : vector<128x128xi1>, vector<128x128xf32>
    %reduce_sum3A_463 = arith.constant dense<0.000000e+00> : vector<128xf32>
    %reduce_sum3A_464 = vector.multi_reduction <add>, %select_n3A_462, %reduce_sum3A_463 [0] : vector<128x128xf32> to vector<128xf32>
    %broadcast_in_dim3A_465 = vector.shape_cast %reduce_sum3A_464 : vector<128xf32> to vector<1x128xf32>
    %max3A_466 = arith.constant 1.000000e-30 : f32
    %max3A_467 = vector.broadcast %max3A_466 : f32 to vector<1x128xf32>
    %max3A_468 = arith.maximumf %broadcast_in_dim3A_465, %max3A_467 : vector<1x128xf32>
    %slice3A_469 = vector.extract_strided_slice %dot_general3A_352 {offsets = [160, 0], sizes = [80, 128], strides = [1, 1]} : vector<640x128xf32> to vector<80x128xf32>
    %dot_general3A_470 = arith.constant dense<0.000000e+00> : vector<80x128xf32>
    %dot_general3A_471 = tpu.matmul %slice3A_469, %select_n3A_462, %dot_general3A_470 {dimension_numbers = #tpu.dot_dimension_numbers<[1], [0], [0], [1], [0, 0, 1, 1], [], []>, transpose_lhs_hint = false} : vector<80x128xf32>, vector<128x128xf32>, vector<80x128xf32> -> vector<80x128xf32>
    %div3A_472 = vector.broadcast %max3A_468 : vector<1x128xf32> to vector<80x128xf32>
    %div3A_473 = arith.divf %dot_general3A_471, %div3A_472 : vector<80x128xf32>
    %slice3A_474 = vector.extract_strided_slice %dot_general3A_354 {offsets = [0, 3], sizes = [128, 1], strides = [1, 1]} : vector<128x8xf32> to vector<128x1xf32>
    %squeeze3A_475 = vector.shape_cast %slice3A_474 : vector<128x1xf32> to vector<128xf32>
    %broadcast_in_dim3A_476 = vector.shape_cast %squeeze3A_475 : vector<128xf32> to vector<128x1xf32>
    %slice3A_477 = vector.extract_strided_slice %dot_general3A_356 {offsets = [3, 0], sizes = [1, 128], strides = [1, 1]} : vector<8x128xf32> to vector<1x128xf32>
    %squeeze3A_478 = vector.shape_cast %slice3A_477 : vector<1x128xf32> to vector<128xf32>
    %broadcast_in_dim3A_479 = vector.shape_cast %squeeze3A_478 : vector<128xf32> to vector<1x128xf32>
    %add3A_480 = vector.broadcast %broadcast_in_dim3A_476 : vector<128x1xf32> to vector<128x128xf32>
    %add3A_481 = vector.broadcast %broadcast_in_dim3A_479 : vector<1x128xf32> to vector<128x128xf32>
    %add3A_482 = arith.addf %add3A_480, %add3A_481 : vector<128x128xf32>
    %slice3A_483 = vector.extract_strided_slice %slice3A_338 {offsets = [3, 0, 0], sizes = [1, 128, 128], strides = [1, 1, 1]} : vector<8x128x128xf32> to vector<1x128x128xf32>
    %squeeze3A_484 = vector.shape_cast %slice3A_483 : vector<1x128x128xf32> to vector<128x128xf32>
    %add3A_485 = arith.addf %add3A_482, %squeeze3A_484 : vector<128x128xf32>
    %mul3A_486 = arith.constant 2.000000e-01 : f32
    %mul3A_487 = vector.broadcast %mul3A_486 : f32 to vector<128x128xf32>
    %mul3A_488 = arith.mulf %mul3A_487, %add3A_485 : vector<128x128xf32>
    %max3A_489 = arith.maximumf %add3A_485, %mul3A_488 : vector<128x128xf32>
    %jit3A_490 = arith.constant -1.000000e+09 : f32
    %broadcast_in_dim3A_491 = vector.broadcast %jit3A_490 : f32 to vector<128x128xf32>
    %select_n3A_492 = arith.select %gt3A_10, %max3A_489, %broadcast_in_dim3A_491 : vector<128x128xi1>, vector<128x128xf32>
    %reduce_max3A_493 = arith.constant dense<0xFF800000> : vector<128xf32>
    %reduce_max3A_494 = vector.multi_reduction <maximumf>, %select_n3A_492, %reduce_max3A_493 [0] : vector<128x128xf32> to vector<128xf32>
    %broadcast_in_dim3A_495 = vector.shape_cast %reduce_max3A_494 : vector<128xf32> to vector<1x128xf32>
    %sub3A_496 = vector.broadcast %broadcast_in_dim3A_495 : vector<1x128xf32> to vector<128x128xf32>
    %sub3A_497 = arith.subf %select_n3A_492, %sub3A_496 : vector<128x128xf32>
    %exp3A_498 = math.exp %sub3A_497 : vector<128x128xf32>
    %jit3A_499 = arith.constant 0.000000e+00 : f32
    %broadcast_in_dim3A_500 = vector.broadcast %jit3A_499 : f32 to vector<128x128xf32>
    %select_n3A_501 = arith.select %gt3A_10, %exp3A_498, %broadcast_in_dim3A_500 : vector<128x128xi1>, vector<128x128xf32>
    %reduce_sum3A_502 = arith.constant dense<0.000000e+00> : vector<128xf32>
    %reduce_sum3A_503 = vector.multi_reduction <add>, %select_n3A_501, %reduce_sum3A_502 [0] : vector<128x128xf32> to vector<128xf32>
    %broadcast_in_dim3A_504 = vector.shape_cast %reduce_sum3A_503 : vector<128xf32> to vector<1x128xf32>
    %max3A_505 = arith.constant 1.000000e-30 : f32
    %max3A_506 = vector.broadcast %max3A_505 : f32 to vector<1x128xf32>
    %max3A_507 = arith.maximumf %broadcast_in_dim3A_504, %max3A_506 : vector<1x128xf32>
    %slice3A_508 = vector.extract_strided_slice %dot_general3A_352 {offsets = [240, 0], sizes = [80, 128], strides = [1, 1]} : vector<640x128xf32> to vector<80x128xf32>
    %dot_general3A_509 = arith.constant dense<0.000000e+00> : vector<80x128xf32>
    %dot_general3A_510 = tpu.matmul %slice3A_508, %select_n3A_501, %dot_general3A_509 {dimension_numbers = #tpu.dot_dimension_numbers<[1], [0], [0], [1], [0, 0, 1, 1], [], []>, transpose_lhs_hint = false} : vector<80x128xf32>, vector<128x128xf32>, vector<80x128xf32> -> vector<80x128xf32>
    %div3A_511 = vector.broadcast %max3A_507 : vector<1x128xf32> to vector<80x128xf32>
    %div3A_512 = arith.divf %dot_general3A_510, %div3A_511 : vector<80x128xf32>
    %slice3A_513 = vector.extract_strided_slice %dot_general3A_354 {offsets = [0, 4], sizes = [128, 1], strides = [1, 1]} : vector<128x8xf32> to vector<128x1xf32>
    %squeeze3A_514 = vector.shape_cast %slice3A_513 : vector<128x1xf32> to vector<128xf32>
    %broadcast_in_dim3A_515 = vector.shape_cast %squeeze3A_514 : vector<128xf32> to vector<128x1xf32>
    %slice3A_516 = vector.extract_strided_slice %dot_general3A_356 {offsets = [4, 0], sizes = [1, 128], strides = [1, 1]} : vector<8x128xf32> to vector<1x128xf32>
    %squeeze3A_517 = vector.shape_cast %slice3A_516 : vector<1x128xf32> to vector<128xf32>
    %broadcast_in_dim3A_518 = vector.shape_cast %squeeze3A_517 : vector<128xf32> to vector<1x128xf32>
    %add3A_519 = vector.broadcast %broadcast_in_dim3A_515 : vector<128x1xf32> to vector<128x128xf32>
    %add3A_520 = vector.broadcast %broadcast_in_dim3A_518 : vector<1x128xf32> to vector<128x128xf32>
    %add3A_521 = arith.addf %add3A_519, %add3A_520 : vector<128x128xf32>
    %slice3A_522 = vector.extract_strided_slice %slice3A_338 {offsets = [4, 0, 0], sizes = [1, 128, 128], strides = [1, 1, 1]} : vector<8x128x128xf32> to vector<1x128x128xf32>
    %squeeze3A_523 = vector.shape_cast %slice3A_522 : vector<1x128x128xf32> to vector<128x128xf32>
    %add3A_524 = arith.addf %add3A_521, %squeeze3A_523 : vector<128x128xf32>
    %mul3A_525 = arith.constant 2.000000e-01 : f32
    %mul3A_526 = vector.broadcast %mul3A_525 : f32 to vector<128x128xf32>
    %mul3A_527 = arith.mulf %mul3A_526, %add3A_524 : vector<128x128xf32>
    %max3A_528 = arith.maximumf %add3A_524, %mul3A_527 : vector<128x128xf32>
    %jit3A_529 = arith.constant -1.000000e+09 : f32
    %broadcast_in_dim3A_530 = vector.broadcast %jit3A_529 : f32 to vector<128x128xf32>
    %select_n3A_531 = arith.select %gt3A_10, %max3A_528, %broadcast_in_dim3A_530 : vector<128x128xi1>, vector<128x128xf32>
    %reduce_max3A_532 = arith.constant dense<0xFF800000> : vector<128xf32>
    %reduce_max3A_533 = vector.multi_reduction <maximumf>, %select_n3A_531, %reduce_max3A_532 [0] : vector<128x128xf32> to vector<128xf32>
    %broadcast_in_dim3A_534 = vector.shape_cast %reduce_max3A_533 : vector<128xf32> to vector<1x128xf32>
    %sub3A_535 = vector.broadcast %broadcast_in_dim3A_534 : vector<1x128xf32> to vector<128x128xf32>
    %sub3A_536 = arith.subf %select_n3A_531, %sub3A_535 : vector<128x128xf32>
    %exp3A_537 = math.exp %sub3A_536 : vector<128x128xf32>
    %jit3A_538 = arith.constant 0.000000e+00 : f32
    %broadcast_in_dim3A_539 = vector.broadcast %jit3A_538 : f32 to vector<128x128xf32>
    %select_n3A_540 = arith.select %gt3A_10, %exp3A_537, %broadcast_in_dim3A_539 : vector<128x128xi1>, vector<128x128xf32>
    %reduce_sum3A_541 = arith.constant dense<0.000000e+00> : vector<128xf32>
    %reduce_sum3A_542 = vector.multi_reduction <add>, %select_n3A_540, %reduce_sum3A_541 [0] : vector<128x128xf32> to vector<128xf32>
    %broadcast_in_dim3A_543 = vector.shape_cast %reduce_sum3A_542 : vector<128xf32> to vector<1x128xf32>
    %max3A_544 = arith.constant 1.000000e-30 : f32
    %max3A_545 = vector.broadcast %max3A_544 : f32 to vector<1x128xf32>
    %max3A_546 = arith.maximumf %broadcast_in_dim3A_543, %max3A_545 : vector<1x128xf32>
    %slice3A_547 = vector.extract_strided_slice %dot_general3A_352 {offsets = [320, 0], sizes = [80, 128], strides = [1, 1]} : vector<640x128xf32> to vector<80x128xf32>
    %dot_general3A_548 = arith.constant dense<0.000000e+00> : vector<80x128xf32>
    %dot_general3A_549 = tpu.matmul %slice3A_547, %select_n3A_540, %dot_general3A_548 {dimension_numbers = #tpu.dot_dimension_numbers<[1], [0], [0], [1], [0, 0, 1, 1], [], []>, transpose_lhs_hint = false} : vector<80x128xf32>, vector<128x128xf32>, vector<80x128xf32> -> vector<80x128xf32>
    %div3A_550 = vector.broadcast %max3A_546 : vector<1x128xf32> to vector<80x128xf32>
    %div3A_551 = arith.divf %dot_general3A_549, %div3A_550 : vector<80x128xf32>
    %slice3A_552 = vector.extract_strided_slice %dot_general3A_354 {offsets = [0, 5], sizes = [128, 1], strides = [1, 1]} : vector<128x8xf32> to vector<128x1xf32>
    %squeeze3A_553 = vector.shape_cast %slice3A_552 : vector<128x1xf32> to vector<128xf32>
    %broadcast_in_dim3A_554 = vector.shape_cast %squeeze3A_553 : vector<128xf32> to vector<128x1xf32>
    %slice3A_555 = vector.extract_strided_slice %dot_general3A_356 {offsets = [5, 0], sizes = [1, 128], strides = [1, 1]} : vector<8x128xf32> to vector<1x128xf32>
    %squeeze3A_556 = vector.shape_cast %slice3A_555 : vector<1x128xf32> to vector<128xf32>
    %broadcast_in_dim3A_557 = vector.shape_cast %squeeze3A_556 : vector<128xf32> to vector<1x128xf32>
    %add3A_558 = vector.broadcast %broadcast_in_dim3A_554 : vector<128x1xf32> to vector<128x128xf32>
    %add3A_559 = vector.broadcast %broadcast_in_dim3A_557 : vector<1x128xf32> to vector<128x128xf32>
    %add3A_560 = arith.addf %add3A_558, %add3A_559 : vector<128x128xf32>
    %slice3A_561 = vector.extract_strided_slice %slice3A_338 {offsets = [5, 0, 0], sizes = [1, 128, 128], strides = [1, 1, 1]} : vector<8x128x128xf32> to vector<1x128x128xf32>
    %squeeze3A_562 = vector.shape_cast %slice3A_561 : vector<1x128x128xf32> to vector<128x128xf32>
    %add3A_563 = arith.addf %add3A_560, %squeeze3A_562 : vector<128x128xf32>
    %mul3A_564 = arith.constant 2.000000e-01 : f32
    %mul3A_565 = vector.broadcast %mul3A_564 : f32 to vector<128x128xf32>
    %mul3A_566 = arith.mulf %mul3A_565, %add3A_563 : vector<128x128xf32>
    %max3A_567 = arith.maximumf %add3A_563, %mul3A_566 : vector<128x128xf32>
    %jit3A_568 = arith.constant -1.000000e+09 : f32
    %broadcast_in_dim3A_569 = vector.broadcast %jit3A_568 : f32 to vector<128x128xf32>
    %select_n3A_570 = arith.select %gt3A_10, %max3A_567, %broadcast_in_dim3A_569 : vector<128x128xi1>, vector<128x128xf32>
    %reduce_max3A_571 = arith.constant dense<0xFF800000> : vector<128xf32>
    %reduce_max3A_572 = vector.multi_reduction <maximumf>, %select_n3A_570, %reduce_max3A_571 [0] : vector<128x128xf32> to vector<128xf32>
    %broadcast_in_dim3A_573 = vector.shape_cast %reduce_max3A_572 : vector<128xf32> to vector<1x128xf32>
    %sub3A_574 = vector.broadcast %broadcast_in_dim3A_573 : vector<1x128xf32> to vector<128x128xf32>
    %sub3A_575 = arith.subf %select_n3A_570, %sub3A_574 : vector<128x128xf32>
    %exp3A_576 = math.exp %sub3A_575 : vector<128x128xf32>
    %jit3A_577 = arith.constant 0.000000e+00 : f32
    %broadcast_in_dim3A_578 = vector.broadcast %jit3A_577 : f32 to vector<128x128xf32>
    %select_n3A_579 = arith.select %gt3A_10, %exp3A_576, %broadcast_in_dim3A_578 : vector<128x128xi1>, vector<128x128xf32>
    %reduce_sum3A_580 = arith.constant dense<0.000000e+00> : vector<128xf32>
    %reduce_sum3A_581 = vector.multi_reduction <add>, %select_n3A_579, %reduce_sum3A_580 [0] : vector<128x128xf32> to vector<128xf32>
    %broadcast_in_dim3A_582 = vector.shape_cast %reduce_sum3A_581 : vector<128xf32> to vector<1x128xf32>
    %max3A_583 = arith.constant 1.000000e-30 : f32
    %max3A_584 = vector.broadcast %max3A_583 : f32 to vector<1x128xf32>
    %max3A_585 = arith.maximumf %broadcast_in_dim3A_582, %max3A_584 : vector<1x128xf32>
    %slice3A_586 = vector.extract_strided_slice %dot_general3A_352 {offsets = [400, 0], sizes = [80, 128], strides = [1, 1]} : vector<640x128xf32> to vector<80x128xf32>
    %dot_general3A_587 = arith.constant dense<0.000000e+00> : vector<80x128xf32>
    %dot_general3A_588 = tpu.matmul %slice3A_586, %select_n3A_579, %dot_general3A_587 {dimension_numbers = #tpu.dot_dimension_numbers<[1], [0], [0], [1], [0, 0, 1, 1], [], []>, transpose_lhs_hint = false} : vector<80x128xf32>, vector<128x128xf32>, vector<80x128xf32> -> vector<80x128xf32>
    %div3A_589 = vector.broadcast %max3A_585 : vector<1x128xf32> to vector<80x128xf32>
    %div3A_590 = arith.divf %dot_general3A_588, %div3A_589 : vector<80x128xf32>
    %slice3A_591 = vector.extract_strided_slice %dot_general3A_354 {offsets = [0, 6], sizes = [128, 1], strides = [1, 1]} : vector<128x8xf32> to vector<128x1xf32>
    %squeeze3A_592 = vector.shape_cast %slice3A_591 : vector<128x1xf32> to vector<128xf32>
    %broadcast_in_dim3A_593 = vector.shape_cast %squeeze3A_592 : vector<128xf32> to vector<128x1xf32>
    %slice3A_594 = vector.extract_strided_slice %dot_general3A_356 {offsets = [6, 0], sizes = [1, 128], strides = [1, 1]} : vector<8x128xf32> to vector<1x128xf32>
    %squeeze3A_595 = vector.shape_cast %slice3A_594 : vector<1x128xf32> to vector<128xf32>
    %broadcast_in_dim3A_596 = vector.shape_cast %squeeze3A_595 : vector<128xf32> to vector<1x128xf32>
    %add3A_597 = vector.broadcast %broadcast_in_dim3A_593 : vector<128x1xf32> to vector<128x128xf32>
    %add3A_598 = vector.broadcast %broadcast_in_dim3A_596 : vector<1x128xf32> to vector<128x128xf32>
    %add3A_599 = arith.addf %add3A_597, %add3A_598 : vector<128x128xf32>
    %slice3A_600 = vector.extract_strided_slice %slice3A_338 {offsets = [6, 0, 0], sizes = [1, 128, 128], strides = [1, 1, 1]} : vector<8x128x128xf32> to vector<1x128x128xf32>
    %squeeze3A_601 = vector.shape_cast %slice3A_600 : vector<1x128x128xf32> to vector<128x128xf32>
    %add3A_602 = arith.addf %add3A_599, %squeeze3A_601 : vector<128x128xf32>
    %mul3A_603 = arith.constant 2.000000e-01 : f32
    %mul3A_604 = vector.broadcast %mul3A_603 : f32 to vector<128x128xf32>
    %mul3A_605 = arith.mulf %mul3A_604, %add3A_602 : vector<128x128xf32>
    %max3A_606 = arith.maximumf %add3A_602, %mul3A_605 : vector<128x128xf32>
    %jit3A_607 = arith.constant -1.000000e+09 : f32
    %broadcast_in_dim3A_608 = vector.broadcast %jit3A_607 : f32 to vector<128x128xf32>
    %select_n3A_609 = arith.select %gt3A_10, %max3A_606, %broadcast_in_dim3A_608 : vector<128x128xi1>, vector<128x128xf32>
    %reduce_max3A_610 = arith.constant dense<0xFF800000> : vector<128xf32>
    %reduce_max3A_611 = vector.multi_reduction <maximumf>, %select_n3A_609, %reduce_max3A_610 [0] : vector<128x128xf32> to vector<128xf32>
    %broadcast_in_dim3A_612 = vector.shape_cast %reduce_max3A_611 : vector<128xf32> to vector<1x128xf32>
    %sub3A_613 = vector.broadcast %broadcast_in_dim3A_612 : vector<1x128xf32> to vector<128x128xf32>
    %sub3A_614 = arith.subf %select_n3A_609, %sub3A_613 : vector<128x128xf32>
    %exp3A_615 = math.exp %sub3A_614 : vector<128x128xf32>
    %jit3A_616 = arith.constant 0.000000e+00 : f32
    %broadcast_in_dim3A_617 = vector.broadcast %jit3A_616 : f32 to vector<128x128xf32>
    %select_n3A_618 = arith.select %gt3A_10, %exp3A_615, %broadcast_in_dim3A_617 : vector<128x128xi1>, vector<128x128xf32>
    %reduce_sum3A_619 = arith.constant dense<0.000000e+00> : vector<128xf32>
    %reduce_sum3A_620 = vector.multi_reduction <add>, %select_n3A_618, %reduce_sum3A_619 [0] : vector<128x128xf32> to vector<128xf32>
    %broadcast_in_dim3A_621 = vector.shape_cast %reduce_sum3A_620 : vector<128xf32> to vector<1x128xf32>
    %max3A_622 = arith.constant 1.000000e-30 : f32
    %max3A_623 = vector.broadcast %max3A_622 : f32 to vector<1x128xf32>
    %max3A_624 = arith.maximumf %broadcast_in_dim3A_621, %max3A_623 : vector<1x128xf32>
    %slice3A_625 = vector.extract_strided_slice %dot_general3A_352 {offsets = [480, 0], sizes = [80, 128], strides = [1, 1]} : vector<640x128xf32> to vector<80x128xf32>
    %dot_general3A_626 = arith.constant dense<0.000000e+00> : vector<80x128xf32>
    %dot_general3A_627 = tpu.matmul %slice3A_625, %select_n3A_618, %dot_general3A_626 {dimension_numbers = #tpu.dot_dimension_numbers<[1], [0], [0], [1], [0, 0, 1, 1], [], []>, transpose_lhs_hint = false} : vector<80x128xf32>, vector<128x128xf32>, vector<80x128xf32> -> vector<80x128xf32>
    %div3A_628 = vector.broadcast %max3A_624 : vector<1x128xf32> to vector<80x128xf32>
    %div3A_629 = arith.divf %dot_general3A_627, %div3A_628 : vector<80x128xf32>
    %slice3A_630 = vector.extract_strided_slice %dot_general3A_354 {offsets = [0, 7], sizes = [128, 1], strides = [1, 1]} : vector<128x8xf32> to vector<128x1xf32>
    %squeeze3A_631 = vector.shape_cast %slice3A_630 : vector<128x1xf32> to vector<128xf32>
    %broadcast_in_dim3A_632 = vector.shape_cast %squeeze3A_631 : vector<128xf32> to vector<128x1xf32>
    %slice3A_633 = vector.extract_strided_slice %dot_general3A_356 {offsets = [7, 0], sizes = [1, 128], strides = [1, 1]} : vector<8x128xf32> to vector<1x128xf32>
    %squeeze3A_634 = vector.shape_cast %slice3A_633 : vector<1x128xf32> to vector<128xf32>
    %broadcast_in_dim3A_635 = vector.shape_cast %squeeze3A_634 : vector<128xf32> to vector<1x128xf32>
    %add3A_636 = vector.broadcast %broadcast_in_dim3A_632 : vector<128x1xf32> to vector<128x128xf32>
    %add3A_637 = vector.broadcast %broadcast_in_dim3A_635 : vector<1x128xf32> to vector<128x128xf32>
    %add3A_638 = arith.addf %add3A_636, %add3A_637 : vector<128x128xf32>
    %slice3A_639 = vector.extract_strided_slice %slice3A_338 {offsets = [7, 0, 0], sizes = [1, 128, 128], strides = [1, 1, 1]} : vector<8x128x128xf32> to vector<1x128x128xf32>
    %squeeze3A_640 = vector.shape_cast %slice3A_639 : vector<1x128x128xf32> to vector<128x128xf32>
    %add3A_641 = arith.addf %add3A_638, %squeeze3A_640 : vector<128x128xf32>
    %mul3A_642 = arith.constant 2.000000e-01 : f32
    %mul3A_643 = vector.broadcast %mul3A_642 : f32 to vector<128x128xf32>
    %mul3A_644 = arith.mulf %mul3A_643, %add3A_641 : vector<128x128xf32>
    %max3A_645 = arith.maximumf %add3A_641, %mul3A_644 : vector<128x128xf32>
    %jit3A_646 = arith.constant -1.000000e+09 : f32
    %broadcast_in_dim3A_647 = vector.broadcast %jit3A_646 : f32 to vector<128x128xf32>
    %select_n3A_648 = arith.select %gt3A_10, %max3A_645, %broadcast_in_dim3A_647 : vector<128x128xi1>, vector<128x128xf32>
    %reduce_max3A_649 = arith.constant dense<0xFF800000> : vector<128xf32>
    %reduce_max3A_650 = vector.multi_reduction <maximumf>, %select_n3A_648, %reduce_max3A_649 [0] : vector<128x128xf32> to vector<128xf32>
    %broadcast_in_dim3A_651 = vector.shape_cast %reduce_max3A_650 : vector<128xf32> to vector<1x128xf32>
    %sub3A_652 = vector.broadcast %broadcast_in_dim3A_651 : vector<1x128xf32> to vector<128x128xf32>
    %sub3A_653 = arith.subf %select_n3A_648, %sub3A_652 : vector<128x128xf32>
    %exp3A_654 = math.exp %sub3A_653 : vector<128x128xf32>
    %jit3A_655 = arith.constant 0.000000e+00 : f32
    %broadcast_in_dim3A_656 = vector.broadcast %jit3A_655 : f32 to vector<128x128xf32>
    %select_n3A_657 = arith.select %gt3A_10, %exp3A_654, %broadcast_in_dim3A_656 : vector<128x128xi1>, vector<128x128xf32>
    %reduce_sum3A_658 = arith.constant dense<0.000000e+00> : vector<128xf32>
    %reduce_sum3A_659 = vector.multi_reduction <add>, %select_n3A_657, %reduce_sum3A_658 [0] : vector<128x128xf32> to vector<128xf32>
    %broadcast_in_dim3A_660 = vector.shape_cast %reduce_sum3A_659 : vector<128xf32> to vector<1x128xf32>
    %max3A_661 = arith.constant 1.000000e-30 : f32
    %max3A_662 = vector.broadcast %max3A_661 : f32 to vector<1x128xf32>
    %max3A_663 = arith.maximumf %broadcast_in_dim3A_660, %max3A_662 : vector<1x128xf32>
    %slice3A_664 = vector.extract_strided_slice %dot_general3A_352 {offsets = [560, 0], sizes = [80, 128], strides = [1, 1]} : vector<640x128xf32> to vector<80x128xf32>
    %dot_general3A_665 = arith.constant dense<0.000000e+00> : vector<80x128xf32>
    %dot_general3A_666 = tpu.matmul %slice3A_664, %select_n3A_657, %dot_general3A_665 {dimension_numbers = #tpu.dot_dimension_numbers<[1], [0], [0], [1], [0, 0, 1, 1], [], []>, transpose_lhs_hint = false} : vector<80x128xf32>, vector<128x128xf32>, vector<80x128xf32> -> vector<80x128xf32>
    %div3A_667 = vector.broadcast %max3A_663 : vector<1x128xf32> to vector<80x128xf32>
    %div3A_668 = arith.divf %dot_general3A_666, %div3A_667 : vector<80x128xf32>
    %concatenate3A_669 = tpu.concatenate %div3A_395, %div3A_434, %div3A_473, %div3A_512, %div3A_551, %div3A_590, %div3A_629, %div3A_668 in 0 : vector<80x128xf32>, vector<80x128xf32>, vector<80x128xf32>, vector<80x128xf32>, vector<80x128xf32>, vector<80x128xf32>, vector<80x128xf32>, vector<80x128xf32> -> vector<640x128xf32>
    %add3A_670 = vector.broadcast %get3A_350 : vector<640x1xf32> to vector<640x128xf32>
    %add3A_671 = arith.addf %concatenate3A_669, %add3A_670 : vector<640x128xf32>
    %slice3A_672 = vector.extract_strided_slice %reshape3A {offsets = [16, 0, 0], sizes = [1, 128, 128], strides = [1, 1, 1]} : vector<17x128x128xf32> to vector<1x128x128xf32>
    %get3A_673 = arith.constant 0 : index
    %get3A_674 = arith.constant 0 : index
    %get3A_675 = vector.load %arg12[%get3A_673, %get3A_674] : memref<80x640xf32, #tpu.memory_space<vmem>>, vector<80x640xf32>
    %get3A_676 = arith.constant 0 : index
    %get3A_677 = arith.constant 0 : index
    %get3A_678 = vector.load %arg13[%get3A_676, %get3A_677] : memref<640x1xf32, #tpu.memory_space<vmem>>, vector<640x1xf32>
    %get3A_679 = arith.constant 0 : index
    %get3A_680 = arith.constant 0 : index
    %get3A_681 = vector.load %arg14[%get3A_679, %get3A_680] : memref<640x1xf32, #tpu.memory_space<vmem>>, vector<640x1xf32>
    %get3A_682 = arith.constant 0 : index
    %get3A_683 = arith.constant 0 : index
    %get3A_684 = vector.load %arg15[%get3A_682, %get3A_683] : memref<80x1xf32, #tpu.memory_space<vmem>>, vector<80x1xf32>
    %dot_general3A_685 = arith.constant dense<0.000000e+00> : vector<80x128xf32>
    %dot_general3A_686 = tpu.matmul %get3A_675, %add3A_671, %dot_general3A_685 {dimension_numbers = #tpu.dot_dimension_numbers<[1], [0], [0], [1], [0, 0, 1, 1], [], []>, transpose_lhs_hint = false} : vector<80x640xf32>, vector<640x128xf32>, vector<80x128xf32> -> vector<80x128xf32>
    %dot_general3A_687 = arith.constant dense<0.000000e+00> : vector<128x1xf32>
    %dot_general3A_688 = tpu.matmul %add3A_671, %get3A_678, %dot_general3A_687 {dimension_numbers = #tpu.dot_dimension_numbers<[0], [0], [1], [1], [0, 1, 1, 1], [], []>, transpose_lhs_hint = false} : vector<640x128xf32>, vector<640x1xf32>, vector<128x1xf32> -> vector<128x1xf32>
    %dot_general3A_689 = arith.constant dense<0.000000e+00> : vector<1x128xf32>
    %dot_general3A_690 = tpu.matmul %get3A_681, %add3A_671, %dot_general3A_689 {dimension_numbers = #tpu.dot_dimension_numbers<[0], [0], [1], [1], [0, 1, 1, 1], [], []>, transpose_lhs_hint = false} : vector<640x1xf32>, vector<640x128xf32>, vector<1x128xf32> -> vector<1x128xf32>
    %squeeze3A_691 = vector.shape_cast %dot_general3A_688 : vector<128x1xf32> to vector<128xf32>
    %broadcast_in_dim3A_692 = vector.shape_cast %squeeze3A_691 : vector<128xf32> to vector<128x1xf32>
    %squeeze3A_693 = vector.shape_cast %dot_general3A_690 : vector<1x128xf32> to vector<128xf32>
    %broadcast_in_dim3A_694 = vector.shape_cast %squeeze3A_693 : vector<128xf32> to vector<1x128xf32>
    %add3A_695 = vector.broadcast %broadcast_in_dim3A_692 : vector<128x1xf32> to vector<128x128xf32>
    %add3A_696 = vector.broadcast %broadcast_in_dim3A_694 : vector<1x128xf32> to vector<128x128xf32>
    %add3A_697 = arith.addf %add3A_695, %add3A_696 : vector<128x128xf32>
    %squeeze3A_698 = vector.shape_cast %slice3A_672 : vector<1x128x128xf32> to vector<128x128xf32>
    %add3A_699 = arith.addf %add3A_697, %squeeze3A_698 : vector<128x128xf32>
    %mul3A_700 = arith.constant 2.000000e-01 : f32
    %mul3A_701 = vector.broadcast %mul3A_700 : f32 to vector<128x128xf32>
    %mul3A_702 = arith.mulf %mul3A_701, %add3A_699 : vector<128x128xf32>
    %max3A_703 = arith.maximumf %add3A_699, %mul3A_702 : vector<128x128xf32>
    %jit3A_704 = arith.constant -1.000000e+09 : f32
    %broadcast_in_dim3A_705 = vector.broadcast %jit3A_704 : f32 to vector<128x128xf32>
    %select_n3A_706 = arith.select %gt3A_10, %max3A_703, %broadcast_in_dim3A_705 : vector<128x128xi1>, vector<128x128xf32>
    %reduce_max3A_707 = arith.constant dense<0xFF800000> : vector<128xf32>
    %reduce_max3A_708 = vector.multi_reduction <maximumf>, %select_n3A_706, %reduce_max3A_707 [0] : vector<128x128xf32> to vector<128xf32>
    %broadcast_in_dim3A_709 = vector.shape_cast %reduce_max3A_708 : vector<128xf32> to vector<1x128xf32>
    %sub3A_710 = vector.broadcast %broadcast_in_dim3A_709 : vector<1x128xf32> to vector<128x128xf32>
    %sub3A_711 = arith.subf %select_n3A_706, %sub3A_710 : vector<128x128xf32>
    %exp3A_712 = math.exp %sub3A_711 : vector<128x128xf32>
    %jit3A_713 = arith.constant 0.000000e+00 : f32
    %broadcast_in_dim3A_714 = vector.broadcast %jit3A_713 : f32 to vector<128x128xf32>
    %select_n3A_715 = arith.select %gt3A_10, %exp3A_712, %broadcast_in_dim3A_714 : vector<128x128xi1>, vector<128x128xf32>
    %reduce_sum3A_716 = arith.constant dense<0.000000e+00> : vector<128xf32>
    %reduce_sum3A_717 = vector.multi_reduction <add>, %select_n3A_715, %reduce_sum3A_716 [0] : vector<128x128xf32> to vector<128xf32>
    %broadcast_in_dim3A_718 = vector.shape_cast %reduce_sum3A_717 : vector<128xf32> to vector<1x128xf32>
    %max3A_719 = arith.constant 1.000000e-30 : f32
    %max3A_720 = vector.broadcast %max3A_719 : f32 to vector<1x128xf32>
    %max3A_721 = arith.maximumf %broadcast_in_dim3A_718, %max3A_720 : vector<1x128xf32>
    %dot_general3A_722 = arith.constant dense<0.000000e+00> : vector<80x128xf32>
    %dot_general3A_723 = tpu.matmul %dot_general3A_686, %select_n3A_715, %dot_general3A_722 {dimension_numbers = #tpu.dot_dimension_numbers<[1], [0], [0], [1], [0, 0, 1, 1], [], []>, transpose_lhs_hint = false} : vector<80x128xf32>, vector<128x128xf32>, vector<80x128xf32> -> vector<80x128xf32>
    %div3A_724 = vector.broadcast %max3A_721 : vector<1x128xf32> to vector<80x128xf32>
    %div3A_725 = arith.divf %dot_general3A_723, %div3A_724 : vector<80x128xf32>
    %add3A_726 = vector.broadcast %get3A_684 : vector<80x1xf32> to vector<80x128xf32>
    %add3A_727 = arith.addf %div3A_725, %add3A_726 : vector<80x128xf32>
    %slice3A_728 = vector.extract_strided_slice %add3A_727 {offsets = [0, 0], sizes = [75, 128], strides = [1, 1]} : vector<80x128xf32> to vector<75x128xf32>
    %transpose3A = tpu.transpose %slice3A_728, [1, 0] : vector<75x128xf32> -> vector<128x75xf32>
    %swap3A = arith.constant 0 : index
    %swap3A_729 = arith.constant 0 : index
    %swap3A_730 = arith.constant 0 : index
    %swap3A_731 = vector.load %arg17[%swap3A, %swap3A_729, %swap3A_730] : memref<1x128x75xf32, #tpu.memory_space<vmem>>, vector<1x128x75xf32>
    %swap3A_732 = vector.shape_cast %swap3A_731 : vector<1x128x75xf32> to vector<128x75xf32>
    %swap3A_733 = vector.shape_cast %transpose3A : vector<128x75xf32> to vector<1x128x75xf32>
    tpu.vector_store %arg17[%swap3A, %swap3A_729, %swap3A_730], %swap3A_733 {strides = array<i32>} : memref<1x128x75xf32, #tpu.memory_space<vmem>>, vector<1x128x75xf32>,
    return
  }
  func.func @transform_0(%arg0: i32) -> (i32, i32, i32) {
    %c0_i32 = arith.constant 0 : i32
    %c0_i32_0 = arith.constant 0 : i32
    %c0_i32_1 = arith.constant 0 : i32
    return %arg0, %c0_i32, %c0_i32_0 : i32, i32, i32
  }
  func.func @transform_1(%arg0: i32) -> (i32, i32, i32) {
    %c0_i32 = arith.constant 0 : i32
    %c0_i32_0 = arith.constant 0 : i32
    %c0_i32_1 = arith.constant 0 : i32
    return %arg0, %c0_i32, %c0_i32_0 : i32, i32, i32
  }
  func.func @transform_2(%arg0: i32) -> (i32, i32) {
    %c0_i32 = arith.constant 0 : i32
    %c0_i32_0 = arith.constant 0 : i32
    return %c0_i32, %arg0 : i32, i32
  }
  func.func @transform_3(%arg0: i32) -> (i32, i32) {
    %c0_i32 = arith.constant 0 : i32
    %c0_i32_0 = arith.constant 0 : i32
    %c0_i32_1 = arith.constant 0 : i32
    return %c0_i32, %c0_i32_0 : i32, i32
  }
  func.func @transform_4(%arg0: i32) -> (i32, i32) {
    %c0_i32 = arith.constant 0 : i32
    %c0_i32_0 = arith.constant 0 : i32
    %c0_i32_1 = arith.constant 0 : i32
    return %c0_i32, %c0_i32_0 : i32, i32
  }
  func.func @transform_5(%arg0: i32) -> (i32, i32) {
    %c0_i32 = arith.constant 0 : i32
    %c0_i32_0 = arith.constant 0 : i32
    %c0_i32_1 = arith.constant 0 : i32
    return %c0_i32, %c0_i32_0 : i32, i32
  }
  func.func @transform_6(%arg0: i32) -> (i32, i32) {
    %c0_i32 = arith.constant 0 : i32
    %c0_i32_0 = arith.constant 0 : i32
    %c0_i32_1 = arith.constant 0 : i32
    return %c0_i32, %c0_i32_0 : i32, i32
  }
  func.func @transform_7(%arg0: i32) -> (i32, i32) {
    %c0_i32 = arith.constant 0 : i32
    %c0_i32_0 = arith.constant 0 : i32
    %c0_i32_1 = arith.constant 0 : i32
    return %c0_i32, %c0_i32_0 : i32, i32
  }
  func.func @transform_8(%arg0: i32) -> (i32, i32) {
    %c0_i32 = arith.constant 0 : i32
    %c0_i32_0 = arith.constant 0 : i32
    %c0_i32_1 = arith.constant 0 : i32
    return %c0_i32, %c0_i32_0 : i32, i32
  }
  func.func @transform_9(%arg0: i32) -> (i32, i32) {
    %c0_i32 = arith.constant 0 : i32
    %c0_i32_0 = arith.constant 0 : i32
    %c0_i32_1 = arith.constant 0 : i32
    return %c0_i32, %c0_i32_0 : i32, i32
  }
  func.func @transform_10(%arg0: i32) -> (i32, i32) {
    %c0_i32 = arith.constant 0 : i32
    %c0_i32_0 = arith.constant 0 : i32
    %c0_i32_1 = arith.constant 0 : i32
    return %c0_i32, %c0_i32_0 : i32, i32
  }
  func.func @transform_11(%arg0: i32) -> (i32, i32) {
    %c0_i32 = arith.constant 0 : i32
    %c0_i32_0 = arith.constant 0 : i32
    %c0_i32_1 = arith.constant 0 : i32
    return %c0_i32, %c0_i32_0 : i32, i32
  }
  func.func @transform_12(%arg0: i32) -> (i32, i32) {
    %c0_i32 = arith.constant 0 : i32
    %c0_i32_0 = arith.constant 0 : i32
    %c0_i32_1 = arith.constant 0 : i32
    return %c0_i32, %c0_i32_0 : i32, i32
  }
  func.func @transform_13(%arg0: i32) -> (i32, i32) {
    %c0_i32 = arith.constant 0 : i32
    %c0_i32_0 = arith.constant 0 : i32
    %c0_i32_1 = arith.constant 0 : i32
    return %c0_i32, %c0_i32_0 : i32, i32
  }
  func.func @transform_14(%arg0: i32) -> (i32, i32) {
    %c0_i32 = arith.constant 0 : i32
    %c0_i32_0 = arith.constant 0 : i32
    %c0_i32_1 = arith.constant 0 : i32
    return %c0_i32, %c0_i32_0 : i32, i32
  }
  func.func @transform_15(%arg0: i32) -> (i32, i32) {
    %c0_i32 = arith.constant 0 : i32
    %c0_i32_0 = arith.constant 0 : i32
    %c0_i32_1 = arith.constant 0 : i32
    return %c0_i32, %c0_i32_0 : i32, i32
  }
  func.func @transform_16(%arg0: i32) -> (i32, i32, i32) {
    %c0_i32 = arith.constant 0 : i32
    %c0_i32_0 = arith.constant 0 : i32
    %c0_i32_1 = arith.constant 0 : i32
    return %arg0, %c0_i32, %c0_i32_0 : i32, i32, i32
  }
}

</mosaic_0001>

<sc_bundles>
// kernel: sparse-core-data-format-call.1.cloned.1.call-start
scs
called_computation.1_lowered:
.L_overlay_start_0:
0x0: {  	s1 =	sld [smem:$0x3FD9]  }
0x1: {  	s2 =	sld [smem:$0x3FFE];
	_ =	sdelay $0x1  }
0x2: {  	s3 =	srdreg.scid  }
0x3: {  	s0 =	sand.u32 $0x1, s3  }
0x4: {  	s17 =	sshll.u32 s0, $0xA;
	s1 =	sadd.s32 s2, s1  }
0x5: {  	s1 =	sadd.s32 s1, s17  }
0x6: {  	[smem:$0x3FB3] =	sst s1  }
0x7: {  	_ = 	snop  }
0x8: {  	(tm) =	ssettm $0x1  }
0x9: {  	s18 =	sld [smem:$0x3FFB];
	_ =	sdelay $0x3  }
0xa: {  	_ =	strace s18  }
0xb: {  	s1 =	sld [smem:$0x3FFC];
	_ =	sdelay $0x3  }
0xc: {  	_ =	strace s1  }
0xd: {  	s1 =	sld [smem:$0x3FFD];
	_ =	sdelay $0x3  }
0xe: {  	_ =	strace s1  }
0xf: {  	_ =	strace $0x8FFFFFFF  }
0x10: {  	s19 =	sld [smem:$0x3FDB];
	_ =	sdelay $0x1  }
0x11: {  	s20 =	simm.s32 $_scs_section_size  }
0x12: {  	s4 =	simm.s32 $_size__tile_overlayer_lowered;
	s5 =	simm.s32 $_tile_overlayer_lowered  }
0x13: {  	s23 =	simm.s32 $0x1BFF;
	s22 =	sshll.u32 s5, $0x1;
	s1 =	sadd.s32 s20, s19  }
0x14: {  	s6 =	simm.s32 $0x0;
	s21 =	sshll.u32 s4, $0x1;
	s4 =	sadd.s32 s22, s1  }
0x15: {  	[timem:s6], [sflag:s23] =	dma.local [hbm:s4], s21  }
0x16: {  	_ =	swait.ge [sflag:s23], s21  }
0x17: {  	s2 =	ssub.s32 $0x0, s21;
	[sflag:s23] =	ssyncset.done $0x0  }
0x18: {  	[sflag:s23] =	ssyncadd.s32 s2;
	_ =	sdelay $0x1  }
0x19: {  	s24 =	simm.s32 $0x1B8B  }
0x1a: {  	_ =	swait.ge [sflag:s24], $0x1  }
0x1b: {  	[sflag:s24] =	ssyncset.done $0x0  }
0x1c: {  	s26 =	simm.s32 $0x1B8E;
	s25 =	sld [smem:$0x3FFE];
	[sflag:s24] =	ssyncadd.s32 $0xFFFFFFFF  }
0x1d: {  	s27 =	simm.s32 $execute0_lowered;
	[smem:$0x3FD2] =	sst s26  }
0x1e: {  	s4 =	sshll.u32 s27, $0x1;
	_ =	strace $0x80000046;
	[dreg:$0x1] =	wrdreg $0xFFFFFFFF  }
0x1f: {  	s28 =	simm.s32 $_size_execute0_lowered;
	s1 =	sadd.s32 s1, s4;
	[dreg:$0x0] =	wrdreg $0x0  }
0x20: {  	s4 =	sshll.u32 s28, $0x1;
	[dreg:$0x2] =	wrdreg s1  }
0x21: {  	[dreg:$0x3] =	wrdreg s4  }
0x22: {  	[dreg:$0x4] =	wrdreg $0xC0  }
0x23: {  	_ =	task [dreg:s6], $0x5FFFF  }
0x24: {  	[dreg:$0x1] =	wrdreg $0xFFFFFFFF  }
0x25: {  	[dreg:$0x0] =	wrdreg $0x60  }
0x26: {  	[dreg:$0x2] =	wrdreg s25  }
0x27: {  	[dreg:$0x3] =	wrdreg $0x9  }
0x28: {  	_ =	task.clear_ibuf [dreg:s6], $0x4FFFF;
	_ =	strace $0x90000046  }
0x29: {  	s29 =	simm.s32 $0x9;
	_ =	strace $0x80000048  }
0x2a: {  	_ =	swait.ge [sflag:s29], $0x1  }
0x2b: {  	[sflag:s29] =	ssyncadd.s32 $0xFFFFFFFF  }
0x2c: {  	_ =	strace $0x90000048  }
0x2d: {  	_ =	sfence  }
0x2e: {  	s30 =	sld [smem:$0x0];
	_ =	sdelay $0x2  }
0x2f: {  	s31 =	sshll.u32 s3, $0xD;
	s3 =	sshrl.u32 s3, $0x2  }
0x30: {  	s2 =	sand.u32 $0x4000, s31;
	s1 =	sadd.s32 s3, s30  }
0x31: {  	s0 =	sor.u32 s2, s0;
	s1 =	sshll.u32 s1, $0x11  }
0x32: {  	s0 =	sor.u32 s1, s0  }
0x33: {  	s0 =	sadd.s32 $0x8F2B, s0  }
0x34: {  	[sflag:s0] =	ssyncadd.remote.s32 $0x1  }
0x35: {  	_ =	sfence.sel $0xFFFF  }
0x36: {  	[dreg:$0x0] =	wrdreg $0xFFFFFFFF;
	(pc) =	sbr.abs _section_cstart, $3  }
0x37: {  	[dreg:$0x1] =	wrdreg $0xFFFFFFFF  }
0x38: {  	_ =	task.clear_ibuf [dreg:s6], $0x2FFFF;
	_ =	strace $0x9FFFFFFF  }
0x39: {  	(tm) =	ssettm $0x7FFFFFFF  }
tec
execute0_lowered:
.L_overlay_start_1:
0x0: {  	(tag) =	ssettag $0x1  }
0x1: {  	s1 =	rddreg [dreg:$0x0]  }
0x2: {  	s0 =	rddreg [dreg:$0x1]  }
0x3: {  	_ =	strace $0x80000047;
	s4 =	srdreg.scid;
	s6 =	simm.s32 $0x2  }
0x4: {  	s11 =	simm.s32 $0x0;
	p0 =	por $0x0, $0x0;
	s7 =	simm.s32 $0x80000  }
.Ltmp0:
0x5: {  	s12 =	simm.s32 $0x0;
	s9 =	simm.s32 $0x0;
	(pc) =	sbr.rel .LBB1_1-.Ltmp0, $4  }
0x6: {  	s2 =	sadd.s32 $0x3200, s1;
	s3 =	sadd.s32 $0x103200, s1;
	s5 =	sshll.u32 s4, $0x4  }
0x7: {  	s1 =	stileid.u32;
	s4 =	simm.s32 $0x1;
	s5 =	sand.u32 $0x10, s5  }
0x8: {  	s8 =	simm.s32 $0x0;
	[sflag:s4] =	ssyncpa.u1 $0x0;
	s5 =	sor.u32 s1, s5  }
0x9: {  	[sflag:s6] =	ssyncpa.u1 $0x0;
	s6 =	simm.s32 $0x400;
	s10 =	smov.u32 s5  }
.LBB1_7:
0xa: {  	s13 =	sadd.s32 $0x10, s9  }
0xb: {  	s11 =	sadd.s32 $0x20, s10;
	s15 =	smov.u32 s10;
	p2 =	sgt.s32 s13, $0x7F  }
0xc: {  	p1 =	slt.u32 s8, $0x2;
	s15 =	smov.u32 @p2 s11  }
0xd: {  	s8 =	sadd.s32 $0x1, s8;
	s13 =	simm.s32 @p2 $0x0;
	p2 =	sgt.s32 s15, $0x3F  }
0xe: {  	s15 =	smov.u32 @p2 s5;
	p2 =	sne.s32 s8, $0x12  }
.Ltmp1:
0xf: {  	_ = 	snop;
	(pc) =	sbr.rel @!p2 .LBB1_8-.Ltmp1, $4  }
0x10: {  	s14 =	simm.s32 @!p1 $0x2  }
0x11: {  	s12 =	smov.u32 s10;
	_ =	swait.ge @!p1 [sflag:s14], $0x4000  }
0x12: {  	p0 =	por !p0, !p0;
	s11 =	smov.u32 s9;
	[sflag:s14] =	ssyncset.done @!p1 $0x0  }
0x13: {  	s9 =	smov.u32 s13;
	[sflag:s14] =	ssyncadd.s32 @!p1 $0xFFFFC000;
	s10 =	smov.u32 s15  }
.LBB1_1:
0x14: {  	p1 =	sgt.u32 s8, $0xF  }
0x15: {  	s13 =	sxor.u32 @!p1 $0xFFFFFFFF, s8;
	s14 =	sshll.u32 @!p1 s10, $0xE  }
0x16: {  	s15 =	sshll.u32 @!p1 s9, $0x7;
	s14 =	sadd.s32 @!p1 s2, s14;
	s13 =	sshll.u32 @!p1 s13, $0xE  }
0x17: {  	s14 =	sadd.s32 @!p1 s15, s14;
	s13 =	sand.u32 @!p1 $0x4000, s13;
	s15 =	simm.s32 @!p1 $0x0  }
0x18: {  	[tilespmem:s13], [sflag:$0x1] =	stream.linear.gather @!p1 [hbm4b:s14+s15], $0x4000, $0x38;
	[tilespmem:$0x10000] =	vst v63  }
0x19: {  	p1 =	seq.s32 s8, $0x0  }
0x1a: {  	p2 =	seq.s32 @!p1 s8, $0x11  }
0x1b: {  	p1 =	por p1, p2  }
.Ltmp2:
0x1c: {  	_ = 	snop;
	(pc) =	sbr.rel @p1 .LBB1_7-.Ltmp2, $1  }
0x1d: {  	_ =	sdelay $0x3  }
0x1e: {  	s13 =	simm.s32 $0x1;
	_ =	swait.ge [sflag:s4], $0x4000;
	s16 =	sshll.u32 s8, $0xE  }
0x1f: {  	s13 =	simm.s32 @!p0 $0x0;
	[sflag:s4] =	ssyncset.done $0x0;
	s31 =	sand.u32 $0x4000, s16  }
0x20: {  	s16 =	simm.s32 $0x0;
	s14 =	sshll.u32 s13, $0xE;
	[sflag:s4] =	ssyncadd.s32 $0xFFFFC000  }
0x21: {  	s13 =	sor.u32 $0x400, s14;
	s15 =	sor.u32 $0x8400, s14;
	s14 =	sor.u32 $0x8000, s31  }
.LBB1_3:
0x22: {  	v0 =	vld [tilespmem:s13+$0xFFFFFC70]  }
0x23: {  	v1 =	vld [tilespmem:s13+$0x70]  }
0x24: {  	v2 =	vld [tilespmem:s13+$0x0]  }
0x25: {  	v3 =	vld [tilespmem:s13+$0xFFFFFC10]  }
0x26: {  	v4 =	vld [tilespmem:s13+$0x10]  }
0x27: {  	v5 =	vld [tilespmem:s13+$0xFFFFFC20]  }
0x28: {  	v7 =	vld [tilespmem:s13+$0x20]  }
0x29: {  	v11 =	vld [tilespmem:s13+$0x30];
	v6 =	vunpack.i.l.s16.s32 v0;
	v8 =	vunpack.i.u.s16.s32 v0;
	v9 =	vunpack.i.u.s16.s32 v1  }
0x2a: {  	v10 =	vunpack.i.l.s16.s32 v1;
	v0 =	vunpack.i.u.s16.s32 v2;
	v1 =	vunpack.i.l.s16.s32 v2;
	v2 =	vld [tilespmem:s13+$0xFFFFFC30]  }
0x2b: {  	v8 =	vpack.i.b32.b16 v9, v8;
	v9 =	vunpack.i.u.s16.s32 v3;
	v3 =	vunpack.i.l.s16.s32 v3  }
0x2c: {  	v12 =	vld [tilespmem:s13+$0xFFFFFC40];
	v6 =	vpack.i.b32.b16 v10, v6;
	[tilespmem:s15+$0x70] =	vst v8;
	v8 =	vunpack.i.u.s16.s32 v4;
	v4 =	vunpack.i.l.s16.s32 v4  }
0x2d: {  	v13 =	vld [tilespmem:s13+$0x40];
	v10 =	vunpack.i.u.s16.s32 v5;
	v5 =	vunpack.i.l.s16.s32 v5;
	[tilespmem:s15+$0xFFFFFC70] =	vst v6;
	v3 =	vpack.i.b32.b16 v4, v3  }
0x2e: {  	v6 =	vunpack.i.l.s16.s32 v7;
	v4 =	vld [tilespmem:s13+$0xFFFFFC50];
	[tilespmem:s15+$0xFFFFFC10] =	vst v3;
	v3 =	vpack.i.b32.b16 v8, v9;
	v8 =	vunpack.i.u.s16.s32 v7  }
0x2f: {  	v7 =	vunpack.i.l.s16.s32 v11;
	[tilespmem:s15+$0x10] =	vst v3;
	v3 =	vpack.i.b32.b16 v6, v5;
	v9 =	vunpack.i.u.s16.s32 v2;
	v6 =	vld [tilespmem:s13+$0x50]  }
0x30: {  	v5 =	vunpack.i.l.s16.s32 v2;
	v2 =	vld [tilespmem:s13+$0xFFFFFC60];
	[tilespmem:s15+$0xFFFFFC20] =	vst v3;
	v3 =	vpack.i.b32.b16 v8, v10;
	v10 =	vunpack.i.u.s16.s32 v11  }
0x31: {  	s19 =	simm.s32 $0x0;
	v11 =	vpack.i.b32.b16 v7, v5;
	v7 =	vunpack.i.u.s16.s32 v12;
	v8 =	vunpack.i.l.s16.s32 v12;
	[tilespmem:s15+$0x20] =	vst v3;
	v3 =	vld [tilespmem:s13+$0x60]  }
0x32: {  	s20 =	sadd.s32 $0x80, s13;
	s18 =	smov.u32 s15;
	s17 =	smov.u32 s15;
	v5 =	vld [tilespmem:s13+$0xFFFFFC00];
	[tilespmem:s15+$0xFFFFFC30] =	vst v11;
	v10 =	vpack.i.b32.b16 v10, v9;
	v9 =	vunpack.i.u.s16.s32 v13;
	v11 =	vunpack.i.l.s16.s32 v13  }
.LBB1_4:
0x33: {  	v12 =	vld [tilespmem:s20+$0xFFFFFC70];
	[tilespmem:s18+$0x30] =	vst v10;
	v8 =	vpack.i.b32.b16 v11, v8;
	v10 =	vunpack.i.u.s16.s32 v4;
	v4 =	vunpack.i.l.s16.s32 v4  }
0x34: {  	s19 =	sadd.s32 $0x2, s19;
	v7 =	vpack.i.b32.b16 v9, v7;
	v11 =	vld [tilespmem:s20+$0x70];
	[tilespmem:s18+$0xFFFFFC40] =	vst v8;
	v8 =	vunpack.i.u.s16.s32 v6;
	v6 =	vunpack.i.l.s16.s32 v6  }
0x35: {  	p1 =	slt.u32 s19, $0xE;
	v9 =	vld [tilespmem:s20+$0x0];
	[tilespmem:s18+$0x40] =	vst v7;
	v4 =	vpack.i.b32.b16 v6, v4;
	v6 =	vunpack.i.u.s16.s32 v2;
	v2 =	vunpack.i.l.s16.s32 v2  }
0x36: {  	v7 =	vld [tilespmem:s20+$0xFFFFFC10];
	[tilespmem:s18+$0xFFFFFC50] =	vst v4;
	v4 =	vpack.i.b32.b16 v8, v10;
	v8 =	vunpack.i.u.s16.s32 v3;
	v3 =	vunpack.i.l.s16.s32 v3  }
0x37: {  	v10 =	vld [tilespmem:s20+$0x10];
	v13 =	vunpack.i.u.s16.s32 v5;
	v5 =	vunpack.i.l.s16.s32 v5;
	[tilespmem:s18+$0x50] =	vst v4;
	v2 =	vpack.i.b32.b16 v3, v2  }
0x38: {  	v3 =	vld [tilespmem:s20+$0xFFFFFC20];
	v4 =	vunpack.i.l.s16.s32 v12;
	v1 =	vpack.i.b32.b16 v1, v5;
	v5 =	vpack.i.b32.b16 v0, v13;
	[tilespmem:s18+$0xFFFFFC60] =	vst v2  }
0x39: {  	v12 =	vunpack.i.u.s16.s32 v12;
	v2 =	vld [tilespmem:s20+$0x20];
	v13 =	vunpack.i.u.s16.s32 v11;
	v11 =	vunpack.i.l.s16.s32 v11;
	[tilespmem:s18+$0xFFFFFC00] =	vst v1  }
0x3a: {  	s18 =	sadd.s32 $0x800, s18;
	v0 =	vunpack.i.u.s16.s32 v9;
	v1 =	vunpack.i.l.s16.s32 v9;
	v9 =	vld [tilespmem:s20+$0xFFFFFC30];
	v12 =	vpack.i.b32.b16 v13, v12;
	[tilespmem:s17+$0x0] =	vst v5  }
0x3b: {  	v6 =	vpack.i.b32.b16 v8, v6;
	v5 =	vunpack.i.u.s16.s32 v7;
	v7 =	vunpack.i.l.s16.s32 v7;
	v13 =	vld [tilespmem:s20+$0x30];
	[tilespmem:s18+$0x70] =	vst v12  }
0x3c: {  	v4 =	vpack.i.b32.b16 v11, v4;
	v8 =	vunpack.i.u.s16.s32 v10;
	v10 =	vunpack.i.l.s16.s32 v10;
	v12 =	vld [tilespmem:s20+$0xFFFFFC40];
	[tilespmem:s17+$0x60] =	vst v6;
	s17 =	smov.u32 s18  }
0x3d: {  	v6 =	vpack.i.b32.b16 v10, v7;
	v7 =	vunpack.i.u.s16.s32 v3;
	v3 =	vunpack.i.l.s16.s32 v3;
	v11 =	vld [tilespmem:s20+$0x40];
	[tilespmem:s18+$0xFFFFFC70] =	vst v4  }
.Ltmp3:
0x3e: {  	v5 =	vpack.i.b32.b16 v8, v5;
	[tilespmem:s18+$0xFFFFFC10] =	vst v6;
	v8 =	vunpack.i.u.s16.s32 v2;
	v2 =	vunpack.i.l.s16.s32 v2;
	v4 =	vld [tilespmem:s20+$0xFFFFFC50];
	(pc) =	sbr.rel @p1 .LBB1_4-.Ltmp3, $4  }
0x3f: {  	[tilespmem:s18+$0x10] =	vst v5;
	v2 =	vpack.i.b32.b16 v2, v3;
	v10 =	vunpack.i.u.s16.s32 v9;
	v3 =	vunpack.i.l.s16.s32 v9;
	v6 =	vld [tilespmem:s20+$0x50]  }
0x40: {  	v5 =	vpack.i.b32.b16 v8, v7;
	[tilespmem:s18+$0xFFFFFC20] =	vst v2;
	v9 =	vunpack.i.u.s16.s32 v13;
	v7 =	vunpack.i.l.s16.s32 v13;
	v2 =	vld [tilespmem:s20+$0xFFFFFC60]  }
0x41: {  	[tilespmem:s18+$0x20] =	vst v5;
	v13 =	vpack.i.b32.b16 v7, v3;
	v7 =	vunpack.i.u.s16.s32 v12;
	v8 =	vunpack.i.l.s16.s32 v12;
	v3 =	vld [tilespmem:s20+$0x60]  }
0x42: {  	v10 =	vpack.i.b32.b16 v9, v10;
	v5 =	vld [tilespmem:s20+$0xFFFFFC00];
	[tilespmem:s18+$0xFFFFFC30] =	vst v13;
	v9 =	vunpack.i.u.s16.s32 v11;
	v11 =	vunpack.i.l.s16.s32 v11;
	s20 =	sadd.s32 $0x80, s20  }
0x43: {  	[tilespmem:s18+$0x30] =	vst v10;
	v8 =	vpack.i.b32.b16 v11, v8  }
0x44: {  	v51 =	vunpack.i.l.s16.s32 v4;
	v7 =	vpack.i.b32.b16 v9, v7;
	[tilespmem:s18+$0xFFFFFC40] =	vst v8;
	v52 =	vunpack.i.l.s16.s32 v6  }
0x45: {  	v53 =	vunpack.i.u.s16.s32 v4;
	v54 =	vunpack.i.u.s16.s32 v6;
	[tilespmem:s18+$0x40] =	vst v7;
	v55 =	vpack.i.b32.b16 v52, v51  }
0x46: {  	p1 =	slt.u32 s16, $0xE;
	v56 =	vunpack.i.l.s16.s32 v2;
	v4 =	vpack.i.b32.b16 v54, v53;
	[tilespmem:s18+$0xFFFFFC50] =	vst v55;
	v57 =	vunpack.i.l.s16.s32 v3  }
.Ltmp4:
0x47: {  	[tilespmem:s18+$0x50] =	vst v4;
	v58 =	vunpack.i.l.s16.s32 v5;
	v59 =	vpack.i.b32.b16 v57, v56;
	(pc) =	sbr.rel @p1 .LBB1_3-.Ltmp4, $4  }
0x48: {  	v61 =	vunpack.i.u.s16.s32 v2;
	v62 =	vunpack.i.u.s16.s32 v3;
	v1 =	vpack.i.b32.b16 v1, v58;
	[tilespmem:s18+$0xFFFFFC60] =	vst v59  }
0x49: {  	v60 =	vunpack.i.u.s16.s32 v5;
	v63 =	vpack.i.b32.b16 v62, v61;
	[tilespmem:s18+$0xFFFFFC00] =	vst v1  }
0x4a: {  	s31 =	sadd.s32 $0x2, s16;
	v0 =	vpack.i.b32.b16 v0, v60;
	[tilespmem:s17+$0x60] =	vst v63  }
0x4b: {  	s13 =	sadd.s32 $0x800, s13;
	s15 =	sadd.s32 $0x80, s15;
	s16 =	smov.u32 s31;
	[tilespmem:s17+$0x0] =	vst v0  }
.Ltmp5:
0x4c: {  	(pc) =	sbr.rel .LBB1_7-.Ltmp5, $4  }
0x4d: {  	s12 =	sshll.u32 s12, $0xA;
	s11 =	sshll.u32 s11, $0x3  }
0x4e: {  	s11 =	sand.u32 $0x3F0, s11;
	s12 =	sadd.s32 s3, s12  }
0x4f: {  	s11 =	sadd.s32 s11, s12  }
0x50: {  	[hbm4b:s11+s6] =	stream.strided.scatter [tilespmem:s14], [sflag:$0x2], $0x4000, s7, s6, $0x38;
	[tilespmem:$0x10000] =	vst v63  }
.LBB1_8:
0x51: {  	_ =	sfence.sel $0x180000  }
0x52: {  	s2 =	simm.s32 $0x1;
	[bflag:$0x0] =	sbarrier.arrive $0xFFFF  }
0x53: {  	s31 =	simm.s32 $0x2;
	[sflag:s2] =	ssyncpa.u1 $0x1  }
0x54: {  	[sflag:s31] =	ssyncpa.u1 $0x1  }
0x55: {  	p0 =	sne.s32 s1, $0x0;
	_ =	strace $0x90000047  }
0x56: {  	s0 =	sadd.s32 @!p0 $0x100000, s0;
	[bflag:$0x2] =	sbarrier.arrive $0xFFFF  }
0x57: {  	[sflag:s0] =	ssyncadd.tile.s32 @!p0 $0x1;
	_ =	shalt  }
.Lfunc_end1:
_tile_overlayer_lowered:
.L_overlay_start_2:
0x58: {  	(tag) =	ssettag $0x2  }
0x59: {  	s0 =	rddreg [dreg:$0x0];
	s2 =	stileid.u32  }
0x5a: {  	s1 =	rddreg [dreg:$0x1];
	p0 =	sne.s32 s2, $0x0  }
0x5b: {  	s3 =	rddreg [dreg:$0x2];
	[bflag:$0x3] =	sbarrier.arrive $0xFFFF;
	s2 =	simm.s32 @!p0 $0x1C01  }
0x5c: {  	[timem:s3], [sflag:s2] =	dma.local @!p0 [hbm:s0], s1  }
0x5d: {  	s0 =	simm.s32 @!p0 $0x1  }
0x5e: {  	_ =	swait.ge @!p0 [sflag:s0], s1  }
0x5f: {  	s1 =	ssub.s32 @!p0 $0x0, s1;
	[sflag:s0] =	ssyncset.done @!p0 $0x0  }
0x60: {  	[sflag:s0] =	ssyncadd.s32 @!p0 s1  }
0x61: {  	[bflag:$0x3] =	sbarrier.arrive $0xFFFF  }
0x62: {  	_ =	shalt  }

// kernel: sparse-core-data-format-call.cloned.1.call-start
scs
called_computation_lowered:
.L_overlay_start_0:
0x0: {  	s1 =	sld [smem:$0x3FD9]  }
0x1: {  	s2 =	sld [smem:$0x3FFE];
	_ =	sdelay $0x1  }
0x2: {  	s3 =	srdreg.scid  }
0x3: {  	s0 =	sand.u32 $0x1, s3  }
0x4: {  	s17 =	sshll.u32 s0, $0xA;
	s1 =	sadd.s32 s2, s1  }
0x5: {  	s1 =	sadd.s32 s1, s17  }
0x6: {  	[smem:$0x3FB3] =	sst s1  }
0x7: {  	_ = 	snop  }
0x8: {  	(tm) =	ssettm $0x1  }
0x9: {  	s18 =	sld [smem:$0x3FFB];
	_ =	sdelay $0x3  }
0xa: {  	_ =	strace s18  }
0xb: {  	s1 =	sld [smem:$0x3FFC];
	_ =	sdelay $0x3  }
0xc: {  	_ =	strace s1  }
0xd: {  	s1 =	sld [smem:$0x3FFD];
	_ =	sdelay $0x3  }
0xe: {  	_ =	strace s1  }
0xf: {  	_ =	strace $0x8FFFFFFF  }
0x10: {  	s19 =	sld [smem:$0x3FDB];
	_ =	sdelay $0x1  }
0x11: {  	s20 =	simm.s32 $_scs_section_size  }
0x12: {  	s4 =	simm.s32 $_size__tile_overlayer_lowered;
	s5 =	simm.s32 $_tile_overlayer_lowered  }
0x13: {  	s23 =	simm.s32 $0x1BFF;
	s22 =	sshll.u32 s5, $0x1;
	s1 =	sadd.s32 s20, s19  }
0x14: {  	s6 =	simm.s32 $0x0;
	s21 =	sshll.u32 s4, $0x1;
	s4 =	sadd.s32 s22, s1  }
0x15: {  	[timem:s6], [sflag:s23] =	dma.local [hbm:s4], s21  }
0x16: {  	_ =	swait.ge [sflag:s23], s21  }
0x17: {  	s2 =	ssub.s32 $0x0, s21;
	[sflag:s23] =	ssyncset.done $0x0  }
0x18: {  	[sflag:s23] =	ssyncadd.s32 s2;
	_ =	sdelay $0x1  }
0x19: {  	s24 =	simm.s32 $0x1B8B  }
0x1a: {  	_ =	swait.ge [sflag:s24], $0x1  }
0x1b: {  	[sflag:s24] =	ssyncset.done $0x0  }
0x1c: {  	s26 =	simm.s32 $0x1B8E;
	s25 =	sld [smem:$0x3FFE];
	[sflag:s24] =	ssyncadd.s32 $0xFFFFFFFF  }
0x1d: {  	s27 =	simm.s32 $execute0_lowered;
	[smem:$0x3FD2] =	sst s26  }
0x1e: {  	s4 =	sshll.u32 s27, $0x1;
	_ =	strace $0x80000049;
	[dreg:$0x1] =	wrdreg $0xFFFFFFFF  }
0x1f: {  	s28 =	simm.s32 $_size_execute0_lowered;
	s1 =	sadd.s32 s1, s4;
	[dreg:$0x0] =	wrdreg $0x0  }
0x20: {  	s4 =	sshll.u32 s28, $0x1;
	[dreg:$0x2] =	wrdreg s1  }
0x21: {  	[dreg:$0x3] =	wrdreg s4  }
0x22: {  	[dreg:$0x4] =	wrdreg $0xC0  }
0x23: {  	_ =	task [dreg:s6], $0x5FFFF  }
0x24: {  	[dreg:$0x1] =	wrdreg $0xFFFFFFFF  }
0x25: {  	[dreg:$0x0] =	wrdreg $0x60  }
0x26: {  	[dreg:$0x2] =	wrdreg s25  }
0x27: {  	[dreg:$0x3] =	wrdreg $0x9  }
0x28: {  	_ =	task.clear_ibuf [dreg:s6], $0x4FFFF;
	_ =	strace $0x90000049  }
0x29: {  	s29 =	simm.s32 $0x9;
	_ =	strace $0x8000004B  }
0x2a: {  	_ =	swait.ge [sflag:s29], $0x1  }
0x2b: {  	[sflag:s29] =	ssyncadd.s32 $0xFFFFFFFF  }
0x2c: {  	_ =	strace $0x9000004B  }
0x2d: {  	_ =	sfence  }
0x2e: {  	s30 =	sld [smem:$0x0];
	_ =	sdelay $0x2  }
0x2f: {  	s31 =	sshll.u32 s3, $0xD;
	s3 =	sshrl.u32 s3, $0x2  }
0x30: {  	s2 =	sand.u32 $0x4000, s31;
	s1 =	sadd.s32 s3, s30  }
0x31: {  	s0 =	sor.u32 s2, s0;
	s1 =	sshll.u32 s1, $0x11  }
0x32: {  	s0 =	sor.u32 s1, s0  }
0x33: {  	s0 =	sadd.s32 $0x8F2B, s0  }
0x34: {  	[sflag:s0] =	ssyncadd.remote.s32 $0x1  }
0x35: {  	_ =	sfence.sel $0xFFFF  }
0x36: {  	[dreg:$0x0] =	wrdreg $0xFFFFFFFF;
	(pc) =	sbr.abs _section_cstart, $3  }
0x37: {  	[dreg:$0x1] =	wrdreg $0xFFFFFFFF  }
0x38: {  	_ =	task.clear_ibuf [dreg:s6], $0x2FFFF;
	_ =	strace $0x9FFFFFFF  }
0x39: {  	(tm) =	ssettm $0x7FFFFFFF  }
tec
execute0_lowered:
.L_overlay_start_1:
0x0: {  	(tag) =	ssettag $0x1  }
0x1: {  	s8 =	rddreg [dreg:$0x0]  }
0x2: {  	s0 =	rddreg [dreg:$0x1]  }
0x3: {  	s1 =	stileid.u32;
	s3 =	srdreg.scid  }
0x4: {  	_ =	strace $0x8000004A;
	s31 =	simm.s32 $0x2;
	s17 =	simm.s32 $0x0  }
0x5: {  	s11 =	simm.s32 $0x200;
	s12 =	simm.s32 $0x0;
	s18 =	simm.s32 $0x0  }
0x6: {  	s19 =	simm.s32 $0x0;
	s2 =	sand.u32 $0x1, s1;
	s4 =	sshll.u32 s1, $0x4  }
0x7: {  	s5 =	sshll.u32 s3, $0x8;
	s3 =	sand.u32 $0x6, s1;
	s28 =	ssub.s32 $0x2, s2  }
0x8: {  	s4 =	sor.u32 s4, s5;
	s7 =	ssub.s32 $0x8, s3;
	s6 =	sshrl.u32 s28, $0x1  }
0x9: {  	s5 =	sand.u32 $0x1, s28;
	s4 =	sand.u32 $0x180, s4;
	s29 =	sand.u32 $0x6, s7  }
0xa: {  	s5 =	sadd.s32 s5, s6;
	p0 =	sne.s32 s29, $0x0;
	s6 =	simm.s32 $0x1  }
0xb: {  	s7 =	sshrl.u32 s7, $0x3;
	s9 =	ssub.s32 $0x2000, s4;
	s6 =	simm.s32 @!p0 $0x0  }
0xc: {  	s16 =	simm.s32 $0x0;
	s10 =	sand.u32 $0x180, s9;
	s6 =	sadd.s32 s6, s7  }
0xd: {  	p0 =	sne.s32 s10, $0x0;
	s7 =	simm.s32 $0x1;
	s30 =	smul.u32 s5, s6  }
.Ltmp0:
0xe: {  	s9 =	sshrl.u32 s9, $0x9;
	s7 =	simm.s32 @!p0 $0x0;
	(pc) =	sbr.rel .LBB1_1-.Ltmp0, $4  }
0xf: {  	s14 =	smov.u32 s3;
	s15 =	smov.u32 s2;
	s7 =	sadd.s32 s7, s9  }
0x10: {  	s13 =	smov.u32 s4;
	s6 =	simm.s32 $0x1;
	s7 =	smul.u32 s7, s30  }
0x11: {  	s10 =	simm.s32 $0x80;
	s5 =	sadd.s32 $0x103200, s8;
	[sflag:s6] =	ssyncpa.u1 $0x0  }
0x12: {  	s8 =	sadd.s32 $0x3200, s8;
	[sflag:s31] =	ssyncpa.u1 $0x0;
	s9 =	sadd.s32 $0x1, s7  }
.LBB1_4:
0x13: {  	[tilespmem:s20+$0x30] =	vst v10;
	v8 =	vpack.i.b32.b16 v11, v8  }
0x14: {  	v51 =	vunpack.i.l.s16.s32 v4;
	v7 =	vpack.i.b32.b16 v9, v7;
	v52 =	vunpack.i.l.s16.s32 v5;
	[tilespmem:s20+$0xFFFFFFC0] =	vst v8  }
0x15: {  	v53 =	vunpack.i.u.s16.s32 v4;
	v54 =	vunpack.i.u.s16.s32 v5;
	[tilespmem:s20+$0x40] =	vst v7;
	v55 =	vpack.i.b32.b16 v52, v51  }
0x16: {  	v56 =	vunpack.i.l.s16.s32 v2;
	v57 =	vunpack.i.l.s16.s32 v3;
	v4 =	vpack.i.b32.b16 v54, v53;
	[tilespmem:s20+$0xFFFFFFD0] =	vst v55  }
0x17: {  	v58 =	vunpack.i.l.s16.s32 v6;
	v59 =	vpack.i.b32.b16 v57, v56;
	[tilespmem:s20+$0x50] =	vst v4  }
0x18: {  	v60 =	vunpack.i.u.s16.s32 v6;
	s19 =	sshll.u32 s19, $0x13;
	v1 =	vpack.i.b32.b16 v1, v58;
	[tilespmem:s20+$0xFFFFFFE0] =	vst v59  }
0x19: {  	v61 =	vunpack.i.u.s16.s32 v2;
	v62 =	vunpack.i.u.s16.s32 v3;
	s17 =	sshll.u32 s17, $0x6;
	s18 =	sshll.u32 s18, $0x3;
	v0 =	vpack.i.b32.b16 v0, v60;
	s19 =	sadd.s32 s8, s19;
	[tilespmem:s20+$0xFFFFFF80] =	vst v1  }
0x1a: {  	v63 =	vpack.i.b32.b16 v62, v61;
	s18 =	sand.u32 $0x30, s18;
	s17 =	sadd.s32 s17, s19;
	[tilespmem:s22+$0x0] =	vst v0  }
0x1b: {  	[tilespmem:s22+$0x60] =	vst v63;
	s17 =	sadd.s32 s18, s17  }
0x1c: {  	[hbm4b:s17+s10] =	stream.strided.scatter [tilespmem:s21], [sflag:$0x2], $0x4000, s11, s10, $0x38;
	[tilespmem:$0x10000] =	vst v63  }
.LBB1_5:
0x1d: {  	s20 =	sadd.s32 $0x200, s13  }
0x1e: {  	s17 =	sadd.s32 $0x8, s14;
	s21 =	smov.u32 s14;
	p1 =	sgt.s32 s20, $0x1FFF  }
0x1f: {  	s21 =	smov.u32 @p1 s17  }
0x20: {  	s23 =	smov.u32 s15;
	s17 =	sadd.s32 $0x2, s15;
	p2 =	sgt.s32 s21, $0x7  }
0x21: {  	s23 =	smov.u32 @p2 s17  }
0x22: {  	s20 =	smov.u32 @p1 s4;
	p1 =	sgt.s32 s23, $0x1  }
0x23: {  	p0 =	slt.u32 s16, $0x2;
	s23 =	smov.u32 @p1 s2;
	p1 =	sne.s32 s16, s9  }
.Ltmp1:
0x24: {  	s22 =	simm.s32 @!p0 $0x2;
	(pc) =	sbr.rel @!p1 .LBB1_6-.Ltmp1, $4  }
0x25: {  	s18 =	smov.u32 s14;
	s19 =	smov.u32 s15;
	_ =	swait.ge @!p0 [sflag:s22], $0x4000  }
0x26: {  	s12 =	sadd.s32 $0x8000, s12;
	[sflag:s22] =	ssyncset.done @!p0 $0x0;
	s21 =	smov.u32 @p2 s3  }
0x27: {  	s17 =	smov.u32 s13;
	[sflag:s22] =	ssyncadd.s32 @!p0 $0xFFFFC000;
	s13 =	smov.u32 s20  }
0x28: {  	s14 =	smov.u32 s21;
	s16 =	sadd.s32 $0x1, s16;
	s15 =	smov.u32 s23  }
.LBB1_1:
0x29: {  	p0 =	sge.u32 s16, s7;
	s31 =	sadd.s32 $0xFFFFFFFF, s16  }
0x2a: {  	s20 =	sshll.u32 @!p0 s15, $0x13;
	s21 =	sshll.u32 @!p0 s14, $0x10;
	s22 =	sshll.u32 @!p0 s13, $0x3  }
0x2b: {  	s23 =	sxor.u32 @!p0 $0xFFFFFFFF, s16;
	s20 =	sadd.s32 @!p0 s5, s20;
	s22 =	sand.u32 @!p0 $0xFFF0, s22  }
0x2c: {  	s20 =	sadd.s32 @!p0 s21, s20;
	s21 =	sshll.u32 @!p0 s23, $0xE;
	s23 =	simm.s32 @!p0 $0x80000  }
0x2d: {  	s20 =	sadd.s32 @!p0 s22, s20;
	s21 =	sand.u32 @!p0 $0x4000, s21;
	s22 =	simm.s32 @!p0 $0x2000  }
0x2e: {  	[tilespmem:s21], [sflag:$0x1] =	stream.strided.gather @!p0 [hbm4b:s20+s22], $0x4000, s23, s22, $0x38;
	[tilespmem:$0x10000] =	vst v63  }
0x2f: {  	p0 =	sge.u32 s31, s7  }
.Ltmp2:
0x30: {  	_ = 	snop;
	(pc) =	sbr.rel @p0 .LBB1_5-.Ltmp2, $1  }
0x31: {  	_ =	sdelay $0x3  }
0x32: {  	s20 =	sshrl.u32 s12, $0x1;
	_ =	swait.ge [sflag:s6], $0x4000  }
0x33: {  	s20 =	sand.u32 $0x4000, s20;
	[sflag:s6] =	ssyncset.done $0x0  }
0x34: {  	s22 =	sor.u32 $0x2000, s20;
	[sflag:s6] =	ssyncadd.s32 $0xFFFFC000  }
0x35: {  	v0 =	vld [tilespmem:s22+$0xFFFFE070]  }
0x36: {  	v1 =	vld [tilespmem:s22+$0x70]  }
0x37: {  	v2 =	vld [tilespmem:s22+$0x0]  }
0x38: {  	v3 =	vld [tilespmem:s22+$0xFFFFE010]  }
0x39: {  	v4 =	vld [tilespmem:s22+$0x10]  }
0x3a: {  	v5 =	vld [tilespmem:s22+$0xFFFFE020]  }
0x3b: {  	v7 =	vld [tilespmem:s22+$0x20]  }
0x3c: {  	v12 =	vld [tilespmem:s22+$0xFFFFE040];
	v6 =	vunpack.i.l.s16.s32 v0;
	v8 =	vunpack.i.u.s16.s32 v0;
	v9 =	vunpack.i.u.s16.s32 v1  }
0x3d: {  	v10 =	vunpack.i.l.s16.s32 v1;
	v0 =	vunpack.i.u.s16.s32 v2;
	v1 =	vunpack.i.l.s16.s32 v2;
	v2 =	vld [tilespmem:s22+$0xFFFFE030]  }
0x3e: {  	s20 =	sor.u32 $0x8080, s20;
	v11 =	vld [tilespmem:s22+$0x30];
	v8 =	vpack.i.b32.b16 v9, v8;
	v9 =	vunpack.i.u.s16.s32 v3;
	v3 =	vunpack.i.l.s16.s32 v3  }
0x3f: {  	v6 =	vpack.i.b32.b16 v10, v6;
	[tilespmem:s20+$0x70] =	vst v8;
	v8 =	vunpack.i.u.s16.s32 v4;
	v4 =	vunpack.i.l.s16.s32 v4  }
0x40: {  	v13 =	vld [tilespmem:s22+$0x40];
	v10 =	vunpack.i.u.s16.s32 v5;
	v5 =	vunpack.i.l.s16.s32 v5;
	[tilespmem:s20+$0xFFFFFFF0] =	vst v6;
	v3 =	vpack.i.b32.b16 v4, v3  }
0x41: {  	v6 =	vunpack.i.u.s16.s32 v7;
	v7 =	vunpack.i.l.s16.s32 v7;
	v4 =	vld [tilespmem:s22+$0xFFFFE050];
	[tilespmem:s20+$0xFFFFFF90] =	vst v3;
	v3 =	vpack.i.b32.b16 v8, v9  }
0x42: {  	v8 =	vunpack.i.l.s16.s32 v12;
	[tilespmem:s20+$0x10] =	vst v3;
	v3 =	vpack.i.b32.b16 v7, v5;
	v9 =	vunpack.i.u.s16.s32 v2;
	v5 =	vld [tilespmem:s22+$0x50]  }
0x43: {  	s21 =	sshll.u32 s16, $0xE;
	v7 =	vunpack.i.l.s16.s32 v2;
	v2 =	vld [tilespmem:s22+$0xFFFFE060];
	[tilespmem:s20+$0xFFFFFFA0] =	vst v3;
	v3 =	vpack.i.b32.b16 v6, v10;
	v6 =	vunpack.i.l.s16.s32 v11  }
0x44: {  	s23 =	simm.s32 $0x0;
	s21 =	sand.u32 $0x4000, s21;
	v10 =	vunpack.i.u.s16.s32 v11;
	[tilespmem:s20+$0x20] =	vst v3;
	v11 =	vpack.i.b32.b16 v6, v7;
	v7 =	vunpack.i.u.s16.s32 v12;
	v3 =	vld [tilespmem:s22+$0x60]  }
0x45: {  	s21 =	sor.u32 $0x8000, s21;
	s24 =	sadd.s32 $0x80, s22;
	v6 =	vld [tilespmem:s22+$0xFFFFE000];
	v10 =	vpack.i.b32.b16 v10, v9;
	v9 =	vunpack.i.u.s16.s32 v13;
	s22 =	smov.u32 s20;
	[tilespmem:s20+$0xFFFFFFB0] =	vst v11;
	v11 =	vunpack.i.l.s16.s32 v13  }
.LBB1_3:
0x46: {  	v12 =	vld [tilespmem:s24+$0xFFFFE070];
	[tilespmem:s20+$0x30] =	vst v10;
	v8 =	vpack.i.b32.b16 v11, v8;
	v10 =	vunpack.i.u.s16.s32 v4;
	v4 =	vunpack.i.l.s16.s32 v4  }
0x47: {  	s23 =	sadd.s32 $0x2, s23;
	v7 =	vpack.i.b32.b16 v9, v7;
	v11 =	vld [tilespmem:s24+$0x70];
	[tilespmem:s20+$0xFFFFFFC0] =	vst v8;
	v8 =	vunpack.i.u.s16.s32 v5;
	v5 =	vunpack.i.l.s16.s32 v5  }
0x48: {  	p0 =	slt.u32 s23, $0x7E;
	v9 =	vld [tilespmem:s24+$0x0];
	[tilespmem:s20+$0x40] =	vst v7;
	v4 =	vpack.i.b32.b16 v5, v4;
	v5 =	vunpack.i.u.s16.s32 v2;
	v2 =	vunpack.i.l.s16.s32 v2  }
0x49: {  	v7 =	vld [tilespmem:s24+$0xFFFFE010];
	[tilespmem:s20+$0xFFFFFFD0] =	vst v4;
	v4 =	vpack.i.b32.b16 v8, v10;
	v8 =	vunpack.i.u.s16.s32 v3;
	v3 =	vunpack.i.l.s16.s32 v3  }
0x4a: {  	v13 =	vunpack.i.u.s16.s32 v6;
	v6 =	vunpack.i.l.s16.s32 v6;
	v10 =	vld [tilespmem:s24+$0x10];
	[tilespmem:s20+$0x50] =	vst v4;
	v2 =	vpack.i.b32.b16 v3, v2  }
0x4b: {  	v1 =	vpack.i.b32.b16 v1, v6;
	v6 =	vpack.i.b32.b16 v0, v13;
	v3 =	vld [tilespmem:s24+$0xFFFFE020];
	v4 =	vunpack.i.l.s16.s32 v12;
	[tilespmem:s20+$0xFFFFFFE0] =	vst v2  }
0x4c: {  	v12 =	vunpack.i.u.s16.s32 v12;
	v2 =	vld [tilespmem:s24+$0x20];
	v13 =	vunpack.i.u.s16.s32 v11;
	v11 =	vunpack.i.l.s16.s32 v11;
	[tilespmem:s20+$0xFFFFFF80] =	vst v1  }
0x4d: {  	s20 =	sadd.s32 $0x100, s20;
	v0 =	vunpack.i.u.s16.s32 v9;
	v1 =	vunpack.i.l.s16.s32 v9;
	v9 =	vld [tilespmem:s24+$0xFFFFE030];
	v12 =	vpack.i.b32.b16 v13, v12;
	[tilespmem:s22+$0x0] =	vst v6  }
0x4e: {  	v5 =	vpack.i.b32.b16 v8, v5;
	v6 =	vunpack.i.u.s16.s32 v7;
	v7 =	vunpack.i.l.s16.s32 v7;
	v13 =	vld [tilespmem:s24+$0x30];
	[tilespmem:s20+$0x70] =	vst v12  }
0x4f: {  	v4 =	vpack.i.b32.b16 v11, v4;
	v8 =	vunpack.i.u.s16.s32 v10;
	v10 =	vunpack.i.l.s16.s32 v10;
	v12 =	vld [tilespmem:s24+$0xFFFFE040];
	[tilespmem:s22+$0x60] =	vst v5;
	s22 =	smov.u32 s20  }
0x50: {  	v5 =	vpack.i.b32.b16 v10, v7;
	v7 =	vunpack.i.u.s16.s32 v3;
	v3 =	vunpack.i.l.s16.s32 v3;
	v11 =	vld [tilespmem:s24+$0x40];
	[tilespmem:s20+$0xFFFFFFF0] =	vst v4  }
.Ltmp3:
0x51: {  	[tilespmem:s20+$0xFFFFFF90] =	vst v5;
	v5 =	vpack.i.b32.b16 v8, v6;
	v6 =	vunpack.i.u.s16.s32 v2;
	v2 =	vunpack.i.l.s16.s32 v2;
	v4 =	vld [tilespmem:s24+$0xFFFFE050];
	(pc) =	sbr.rel @p0 .LBB1_3-.Ltmp3, $4  }
0x52: {  	[tilespmem:s20+$0x10] =	vst v5;
	v2 =	vpack.i.b32.b16 v2, v3;
	v10 =	vunpack.i.u.s16.s32 v9;
	v3 =	vunpack.i.l.s16.s32 v9;
	v5 =	vld [tilespmem:s24+$0x50]  }
0x53: {  	v6 =	vpack.i.b32.b16 v6, v7;
	[tilespmem:s20+$0xFFFFFFA0] =	vst v2;
	v9 =	vunpack.i.u.s16.s32 v13;
	v7 =	vunpack.i.l.s16.s32 v13;
	v2 =	vld [tilespmem:s24+$0xFFFFE060]  }
0x54: {  	[tilespmem:s20+$0x20] =	vst v6;
	v13 =	vpack.i.b32.b16 v7, v3;
	v7 =	vunpack.i.u.s16.s32 v12;
	v8 =	vunpack.i.l.s16.s32 v12;
	v3 =	vld [tilespmem:s24+$0x60]  }
0x55: {  	v10 =	vpack.i.b32.b16 v9, v10;
	v6 =	vld [tilespmem:s24+$0xFFFFE000];
	[tilespmem:s20+$0xFFFFFFB0] =	vst v13;
	v9 =	vunpack.i.u.s16.s32 v11;
	v11 =	vunpack.i.l.s16.s32 v11;
	s24 =	sadd.s32 $0x80, s24  }
.Ltmp4:
0x56: {  	_ = 	snop;
	(pc) =	sbr.rel .LBB1_4-.Ltmp4, $1  }
0x57: {  	_ =	sdelay $0x3  }
.LBB1_6:
0x58: {  	_ =	sfence.sel $0x180000  }
0x59: {  	s2 =	simm.s32 $0x1;
	[bflag:$0x0] =	sbarrier.arrive $0xFFFF  }
0x5a: {  	s31 =	simm.s32 $0x2;
	[sflag:s2] =	ssyncpa.u1 $0x1  }
0x5b: {  	[sflag:s31] =	ssyncpa.u1 $0x1  }
0x5c: {  	p0 =	sne.s32 s1, $0x0;
	_ =	strace $0x9000004A  }
0x5d: {  	s0 =	sadd.s32 @!p0 $0x100000, s0;
	[bflag:$0x2] =	sbarrier.arrive $0xFFFF  }
0x5e: {  	[sflag:s0] =	ssyncadd.tile.s32 @!p0 $0x1;
	_ =	shalt  }
.Lfunc_end1:
_tile_overlayer_lowered:
.L_overlay_start_2:
0x5f: {  	(tag) =	ssettag $0x2  }
0x60: {  	s0 =	rddreg [dreg:$0x0];
	s2 =	stileid.u32  }
0x61: {  	s1 =	rddreg [dreg:$0x1];
	p0 =	sne.s32 s2, $0x0  }
0x62: {  	s3 =	rddreg [dreg:$0x2];
	[bflag:$0x3] =	sbarrier.arrive $0xFFFF;
	s2 =	simm.s32 @!p0 $0x1C01  }
0x63: {  	[timem:s3], [sflag:s2] =	dma.local @!p0 [hbm:s0], s1  }
0x64: {  	s0 =	simm.s32 @!p0 $0x1  }
0x65: {  	_ =	swait.ge @!p0 [sflag:s0], s1  }
0x66: {  	s1 =	ssub.s32 @!p0 $0x0, s1;
	[sflag:s0] =	ssyncset.done @!p0 $0x0  }
0x67: {  	[sflag:s0] =	ssyncadd.s32 @!p0 s1  }
0x68: {  	[bflag:$0x3] =	sbarrier.arrive $0xFFFF  }
0x69: {  	_ =	shalt  }

</sc_bundles>
